<compile_context>
chip_gen: v7x
topology: tpu7x:2x2x1
jax: 0.10.2.dev20260603
libtpu: 0.0.44.dev20260713+nightly
codegen_flags: <defaults>
</compile_context>

<pallas_src>
import functools

import jax
import jax.numpy as jnp
from jax import lax
from jax.experimental import pallas as pl
from jax.experimental.pallas import tpu as pltpu
from jax.experimental.pallas import tpu_sc as plsc

DIM = 128
SEQ = 50

NC = 2
NS = 16
NW = NC * NS

K = 128
NBUF = 6


def _body(b_per_w, n_chunks, n_remap,
          ids_hbm, remap_hbm, emb_hbm, out_hbm,
          ids_v, dict_v, bounce_v, remap_sp, r0, r1, r2, r3, r4, r5,
          sr0, sr1, sr2, sr3, sr4, sr5,
          sg0, sg1, sg2, sg3, sg4, sg5,
          ss0, ss1, ss2, ss3, ss4, ss5):
    rows = (r0, r1, r2, r3, r4, r5)
    sr = (sr0, sr1, sr2, sr3, sr4, sr5)
    sg = (sg0, sg1, sg2, sg3, sg4, sg5)
    ss = (ss0, ss1, ss2, ss3, ss4, ss5)

    wid = lax.axis_index("s") * NC + lax.axis_index("c")
    base = wid * b_per_w
    base_b = wid * K

    sid = lax.axis_index("s")
    seg = n_remap // NS
    soff = pl.multiple_of(sid * seg, seg)
    pltpu.sync_copy(remap_hbm.at[pl.ds(soff, seg)], bounce_v)
    pltpu.sync_copy(bounce_v, remap_sp.at[pl.ds(soff, seg)])

    pltpu.sync_copy(ids_hbm.at[pl.ds(base, b_per_w)], ids_v)
    plsc.subcore_barrier()

    def fire_r(j, slot):
        off = pl.multiple_of(j * K, K)
        pltpu.async_copy(remap_sp.at[ids_v.at[pl.ds(off, K)]],
                         dict_v.at[pl.ds(off, K)], sr[slot])

    def wait_r(slot):
        pltpu.make_async_copy(remap_sp.at[ids_v.at[pl.ds(0, K)]],
                              dict_v.at[pl.ds(0, K)], sr[slot]).wait()

    def issue_g(j, slot, dyn_guard):
        wait_r(slot)
        off = pl.multiple_of(j * K, K)
        pltpu.async_copy(emb_hbm.at[dict_v.at[pl.ds(off, K)]],
                         rows[slot], sg[slot])
        if dyn_guard:
            @pl.when(j + NBUF < n_chunks)
            def _():
                fire_r(j + NBUF, slot)
        else:
            if isinstance(j, int) and j + NBUF < n_chunks:
                fire_r(j + NBUF, slot)

    def wait_g(slot):
        pltpu.make_async_copy(emb_hbm.at[dict_v.at[pl.ds(0, K)]],
                              rows[slot], sg[slot]).wait()

    def issue_s(j, slot):
        pltpu.async_copy(rows[slot], out_hbm.at[j, pl.ds(base_b, K)],
                         ss[slot])

    def wait_s(slot):
        pltpu.make_async_copy(rows[slot], out_hbm.at[0, pl.ds(base_b, K)],
                              ss[slot]).wait()

    for m in range(NBUF):
        fire_r(m, m)

    def head_step(j):
        slot = j % NBUF
        wait_g(slot)
        issue_s(j, slot)
        if j > 0:
            wait_s((j - 1) % NBUF)
        issue_g(j + NBUF - 1, (j + NBUF - 1) % NBUF, False)

    head = 1
    while (n_chunks - NBUF + 1 - head) % NBUF:
        head += 1
    for m in range(NBUF - 1):
        issue_g(m, m, False)
    for j in range(head):
        head_step(j)

    def group(g, c):
        for b in range(NBUF):
            j = g * NBUF + head + b
            slot = (head + b) % NBUF
            wait_g(slot)
            issue_s(j, slot)
            wait_s((slot - 1) % NBUF)
            issue_g(j + NBUF - 1, (slot - 1) % NBUF, True)
        return c

    lax.fori_loop(0, (n_chunks - NBUF + 1 - head) // NBUF, group, 0)

    for j in range(n_chunks - NBUF + 1, n_chunks):
        slot = j % NBUF
        wait_g(slot)
        issue_s(j, slot)
        wait_s((j - 1) % NBUF)
    wait_s((n_chunks - 1) % NBUF)


@jax.jit
def _lookup(ids_perm, remap, emb):
    n_tok = ids_perm.shape[0]
    n_remap = remap.shape[0]
    batch = n_tok // SEQ
    b_per_w = n_tok // NW
    n_chunks = b_per_w // K
    assert n_tok == b_per_w * NW and b_per_w == n_chunks * K
    assert batch == NW * K and n_chunks == SEQ and n_chunks >= 2 * NBUF
    assert n_remap % (8 * NS) == 0
    mesh = plsc.VectorSubcoreMesh(core_axis_name="c", subcore_axis_name="s")
    fn = pl.kernel(
        functools.partial(_body, b_per_w, n_chunks, n_remap),
        out_type=jax.ShapeDtypeStruct((SEQ, batch, DIM), jnp.float32),
        mesh=mesh,
        scratch_types=(
            [pltpu.VMEM((b_per_w,), jnp.int32),
             pltpu.VMEM((b_per_w,), jnp.int32),
             pltpu.VMEM((n_remap // NS,), jnp.int32),
             pltpu.VMEM_SHARED((n_remap,), jnp.int32)]
            + [pltpu.VMEM((K, DIM), jnp.float32)] * NBUF
            + [pltpu.SemaphoreType.DMA] * (3 * NBUF)
        ),
    )
    return fn(ids_perm, remap, emb)


def kernel(input_ids, attention_mask, embedding_dict, input_ids2dict_ids):
    batch, seq = input_ids.shape
    ids_perm = (input_ids.astype(jnp.int32)
                .reshape(NW, K, seq).transpose(0, 2, 1).reshape(-1))
    remap = input_ids2dict_ids.astype(jnp.int32)
    pad = (-remap.shape[0]) % (8 * NS)
    remap = jnp.pad(remap, (0, pad))
    out_t = _lookup(ids_perm, remap, embedding_dict)
    return (out_t.transpose(1, 0, 2), attention_mask)

# --- scband reference (transcript-rebuilt; emitter-appended) ---
"""Pipeline reference for scband-random-embedding-encoder-83889301225849 (READ-ONLY COPY).

The authoritative reference and input builder live on the scoring server;
editing this copy changes nothing except your own understanding.
"""

import jax, jax.numpy as jnp
import numpy as np

VOCAB = 100000
DICT_SIZE = 100000
DIM = 128
BATCH = 4096
SEQ = 50


def setup_inputs(seed: int = 0) -> dict:
    key = jax.random.key(seed)
    k1, k2, k3 = jax.random.split(key, 3)
    input_ids = jax.random.randint(k1, (BATCH, SEQ), 0, VOCAB)
    attention_mask = jnp.ones((BATCH, SEQ), dtype=jnp.float32)
    # learned parameter: the embedding dictionary
    embedding_dict = jax.random.normal(k2, (DICT_SIZE, DIM), dtype=jnp.float32) * 0.02
    # remap table: input token id -> dict row id (random permutation, like a vocab re-indexing)
    input_ids2dict_ids = jax.random.permutation(k3, jnp.arange(DICT_SIZE))
    return {
        "input_ids": input_ids,
        "attention_mask": attention_mask,
        "embedding_dict": embedding_dict,
        "input_ids2dict_ids": input_ids2dict_ids,
    }


def reference(input_ids, attention_mask, embedding_dict, input_ids2dict_ids):
    # indices = [input_ids2dict_ids[id] for id in input_ids.reshape(-1)].reshape(input_ids.shape)
    flat = input_ids.reshape(-1)
    indices = jnp.take(input_ids2dict_ids, flat, axis=0).reshape(input_ids.shape)
    # embeddings = embedding_dict[indices]
    embeddings = jnp.take(embedding_dict, indices, axis=0)
    return (embeddings, attention_mask)

if __name__ == "__main__":
    import jax
    _d = setup_inputs()
    print(jax.jit(kernel)(*tuple(_d.values())))

</pallas_src>

<mosaic_0001>
#map = affine_map<(d0, d1) -> (0)>
#map1 = affine_map<(d0, d1) -> (0, 0)>
#map2 = affine_map<(d0, d1) -> (0, 0, 0)>
module attributes {stable_mosaic.version = 14 : i64} {
  func.func @_body(%arg0: i32, %arg1: i32, %arg2: memref<204800xi32, #tpu.memory_space<hbm>>, %arg3: memref<100096xi32, #tpu.memory_space<hbm>>, %arg4: memref<100000x128xf32, #tpu.memory_space<hbm>>, %arg5: memref<50x4096x128xf32, #tpu.memory_space<hbm>>, %arg6: memref<6400xi32, #tpu.memory_space<vmem>>, %arg7: memref<6400xi32, #tpu.memory_space<vmem>>, %arg8: memref<6256xi32, #tpu.memory_space<vmem>>, %arg9: memref<100096xi32, #tpu.memory_space<vmem_shared>>, %arg10: memref<128x128xf32, #tpu.memory_space<vmem>>, %arg11: memref<128x128xf32, #tpu.memory_space<vmem>>, %arg12: memref<128x128xf32, #tpu.memory_space<vmem>>, %arg13: memref<128x128xf32, #tpu.memory_space<vmem>>, %arg14: memref<128x128xf32, #tpu.memory_space<vmem>>, %arg15: memref<128x128xf32, #tpu.memory_space<vmem>>, %arg16: memref<!tpu.dma_semaphore, #tpu.memory_space<semaphore_mem>>, %arg17: memref<!tpu.dma_semaphore, #tpu.memory_space<semaphore_mem>>, %arg18: memref<!tpu.dma_semaphore, #tpu.memory_space<semaphore_mem>>, %arg19: memref<!tpu.dma_semaphore, #tpu.memory_space<semaphore_mem>>, %arg20: memref<!tpu.dma_semaphore, #tpu.memory_space<semaphore_mem>>, %arg21: memref<!tpu.dma_semaphore, #tpu.memory_space<semaphore_mem>>, %arg22: memref<!tpu.dma_semaphore, #tpu.memory_space<semaphore_mem>>, %arg23: memref<!tpu.dma_semaphore, #tpu.memory_space<semaphore_mem>>, %arg24: memref<!tpu.dma_semaphore, #tpu.memory_space<semaphore_mem>>, %arg25: memref<!tpu.dma_semaphore, #tpu.memory_space<semaphore_mem>>, %arg26: memref<!tpu.dma_semaphore, #tpu.memory_space<semaphore_mem>>, %arg27: memref<!tpu.dma_semaphore, #tpu.memory_space<semaphore_mem>>, %arg28: memref<!tpu.dma_semaphore, #tpu.memory_space<semaphore_mem>>, %arg29: memref<!tpu.dma_semaphore, #tpu.memory_space<semaphore_mem>>, %arg30: memref<!tpu.dma_semaphore, #tpu.memory_space<semaphore_mem>>, %arg31: memref<!tpu.dma_semaphore, #tpu.memory_space<semaphore_mem>>, %arg32: memref<!tpu.dma_semaphore, #tpu.memory_space<semaphore_mem>>, %arg33: memref<!tpu.dma_semaphore, #tpu.memory_space<semaphore_mem>>) attributes {dimension_semantics = [#tpu.dimension_semantics<core_parallel>, #tpu.dimension_semantics<subcore_parallel>], iteration_bounds = array<i64: 2, 16>, scalar_prefetch = 0 : i64, scratch_operands = 28 : i64, tpu.core_type = #tpu.core_type<sc_vector_subcore>, window_params = [{transform_indices = #map}, {transform_indices = #map}, {transform_indices = #map1}, {transform_indices = #map2}]} {
    %mul3A = arith.constant 2 : i32
    %mul3A_0 = arith.muli %arg1, %mul3A : i32
    %add3A = arith.addi %mul3A_0, %arg0 : i32
    %mul3A_1 = arith.constant 6400 : i32
    %mul3A_2 = arith.muli %add3A, %mul3A_1 : i32
    %mul3A_3 = arith.constant 128 : i32
    %mul3A_4 = arith.muli %add3A, %mul3A_3 : i32
    %mul3A_5 = arith.constant 6256 : i32
    %mul3A_6 = arith.muli %arg1, %mul3A_5 : i32
    %multiple_of3A = tpu.assume_multiple %mul3A_6, 6256 : i32
    "tpu.region"() ({
      %run_scoped3A = tpu.sem_alloc : memref<!tpu.dma_semaphore, #tpu.memory_space<semaphore_mem>>
      %dma_start3A_342 = tpu.memref_slice %arg3[%multiple_of3A] : memref<100096xi32, #tpu.memory_space<hbm>> -> memref<6256xi32, #tpu.memory_space<hbm>>
      %dma_start3A_343 = tpu.memref_slice %arg3[%multiple_of3A] : memref<100096xi32, #tpu.memory_space<hbm>> -> memref<6256xi32, #tpu.memory_space<hbm>>
      tpu.enqueue_dma source(%dma_start3A_343 : memref<6256xi32, #tpu.memory_space<hbm>>) target(%arg8 : memref<6256xi32, #tpu.memory_space<vmem>>) target_semaphore(%run_scoped3A : memref<!tpu.dma_semaphore, #tpu.memory_space<semaphore_mem>>)
      %dma_wait3A_344 = tpu.memref_slice %arg3[%multiple_of3A] : memref<100096xi32, #tpu.memory_space<hbm>> -> memref<6256xi32, #tpu.memory_space<hbm>>
      %dma_wait3A_345 = tpu.memref_slice %arg3[%multiple_of3A] : memref<100096xi32, #tpu.memory_space<hbm>> -> memref<6256xi32, #tpu.memory_space<hbm>>
      tpu.wait_dma2 semaphore(%run_scoped3A : memref<!tpu.dma_semaphore, #tpu.memory_space<semaphore_mem>>) src(%dma_wait3A_345 : memref<6256xi32, #tpu.memory_space<hbm>>) dst(%arg8 : memref<6256xi32, #tpu.memory_space<vmem>>)
      tpu.yield
    }) : () -> ()
    "tpu.region"() ({
      %run_scoped3A = tpu.sem_alloc : memref<!tpu.dma_semaphore, #tpu.memory_space<semaphore_mem>>
      %dma_start3A_342 = tpu.memref_slice %arg9[%multiple_of3A] : memref<100096xi32, #tpu.memory_space<vmem_shared>> -> memref<6256xi32, #tpu.memory_space<vmem_shared>>
      %dma_start3A_343 = tpu.memref_slice %arg9[%multiple_of3A] : memref<100096xi32, #tpu.memory_space<vmem_shared>> -> memref<6256xi32, #tpu.memory_space<vmem_shared>>
      tpu.enqueue_dma source(%arg8 : memref<6256xi32, #tpu.memory_space<vmem>>) target(%dma_start3A_343 : memref<6256xi32, #tpu.memory_space<vmem_shared>>) target_semaphore(%run_scoped3A : memref<!tpu.dma_semaphore, #tpu.memory_space<semaphore_mem>>)
      %dma_wait3A_344 = tpu.memref_slice %arg9[%multiple_of3A] : memref<100096xi32, #tpu.memory_space<vmem_shared>> -> memref<6256xi32, #tpu.memory_space<vmem_shared>>
      %dma_wait3A_345 = tpu.memref_slice %arg9[%multiple_of3A] : memref<100096xi32, #tpu.memory_space<vmem_shared>> -> memref<6256xi32, #tpu.memory_space<vmem_shared>>
      tpu.wait_dma2 semaphore(%run_scoped3A : memref<!tpu.dma_semaphore, #tpu.memory_space<semaphore_mem>>) src(%arg8 : memref<6256xi32, #tpu.memory_space<vmem>>) dst(%dma_wait3A_345 : memref<6256xi32, #tpu.memory_space<vmem_shared>>)
      tpu.yield
    }) : () -> ()
    "tpu.region"() ({
      %run_scoped3A = tpu.sem_alloc : memref<!tpu.dma_semaphore, #tpu.memory_space<semaphore_mem>>
      %dma_start3A_342 = tpu.memref_slice %arg2[%mul3A_2] : memref<204800xi32, #tpu.memory_space<hbm>> -> memref<6400xi32, #tpu.memory_space<hbm>>
      %dma_start3A_343 = tpu.memref_slice %arg2[%mul3A_2] : memref<204800xi32, #tpu.memory_space<hbm>> -> memref<6400xi32, #tpu.memory_space<hbm>>
      tpu.enqueue_dma source(%dma_start3A_343 : memref<6400xi32, #tpu.memory_space<hbm>>) target(%arg6 : memref<6400xi32, #tpu.memory_space<vmem>>) target_semaphore(%run_scoped3A : memref<!tpu.dma_semaphore, #tpu.memory_space<semaphore_mem>>)
      %dma_wait3A_344 = tpu.memref_slice %arg2[%mul3A_2] : memref<204800xi32, #tpu.memory_space<hbm>> -> memref<6400xi32, #tpu.memory_space<hbm>>
      %dma_wait3A_345 = tpu.memref_slice %arg2[%mul3A_2] : memref<204800xi32, #tpu.memory_space<hbm>> -> memref<6400xi32, #tpu.memory_space<hbm>>
      tpu.wait_dma2 semaphore(%run_scoped3A : memref<!tpu.dma_semaphore, #tpu.memory_space<semaphore_mem>>) src(%dma_wait3A_345 : memref<6400xi32, #tpu.memory_space<hbm>>) dst(%arg6 : memref<6400xi32, #tpu.memory_space<vmem>>)
      tpu.yield
    }) : () -> ()
    %barrier3A = arith.constant 0 : index
    tpu.barrier barrier_id(%barrier3A)
    %multiple_of3A_7 = arith.constant 0 : i32
    %multiple_of3A_8 = tpu.assume_multiple %multiple_of3A_7, 128 : i32
    %dma_start3A = tpu.memref_slice %arg7[%multiple_of3A_8] : memref<6400xi32, #tpu.memory_space<vmem>> -> memref<128xi32, #tpu.memory_space<vmem>>
    %dma_start3A_9 = tpu.memref_slice %arg6[%multiple_of3A_8] : memref<6400xi32, #tpu.memory_space<vmem>> -> memref<128xi32, #tpu.memory_space<vmem>>
    %dma_start3A_10 = arith.constant 0 : i32
    %dma_start3A_11 = tpu.memref_slice %arg9[%dma_start3A_10] : memref<100096xi32, #tpu.memory_space<vmem_shared>> -> memref<100096xi32, #tpu.memory_space<vmem_shared>>
    tpu.enqueue_indirect_dma source(%dma_start3A_11 : memref<100096xi32, #tpu.memory_space<vmem_shared>>) target(%dma_start3A : memref<128xi32, #tpu.memory_space<vmem>>) offsets(%dma_start3A_9 : memref<128xi32, #tpu.memory_space<vmem>>) semaphore(%arg16 : memref<!tpu.dma_semaphore, #tpu.memory_space<semaphore_mem>>)
    %multiple_of3A_12 = arith.constant 128 : i32
    %multiple_of3A_13 = tpu.assume_multiple %multiple_of3A_12, 128 : i32
    %dma_start3A_14 = tpu.memref_slice %arg7[%multiple_of3A_13] : memref<6400xi32, #tpu.memory_space<vmem>> -> memref<128xi32, #tpu.memory_space<vmem>>
    %dma_start3A_15 = tpu.memref_slice %arg6[%multiple_of3A_13] : memref<6400xi32, #tpu.memory_space<vmem>> -> memref<128xi32, #tpu.memory_space<vmem>>
    %dma_start3A_16 = arith.constant 0 : i32
    %dma_start3A_17 = tpu.memref_slice %arg9[%dma_start3A_16] : memref<100096xi32, #tpu.memory_space<vmem_shared>> -> memref<100096xi32, #tpu.memory_space<vmem_shared>>
    tpu.enqueue_indirect_dma source(%dma_start3A_17 : memref<100096xi32, #tpu.memory_space<vmem_shared>>) target(%dma_start3A_14 : memref<128xi32, #tpu.memory_space<vmem>>) offsets(%dma_start3A_15 : memref<128xi32, #tpu.memory_space<vmem>>) semaphore(%arg17 : memref<!tpu.dma_semaphore, #tpu.memory_space<semaphore_mem>>)
    %multiple_of3A_18 = arith.constant 256 : i32
    %multiple_of3A_19 = tpu.assume_multiple %multiple_of3A_18, 128 : i32
    %dma_start3A_20 = tpu.memref_slice %arg7[%multiple_of3A_19] : memref<6400xi32, #tpu.memory_space<vmem>> -> memref<128xi32, #tpu.memory_space<vmem>>
    %dma_start3A_21 = tpu.memref_slice %arg6[%multiple_of3A_19] : memref<6400xi32, #tpu.memory_space<vmem>> -> memref<128xi32, #tpu.memory_space<vmem>>
    %dma_start3A_22 = arith.constant 0 : i32
    %dma_start3A_23 = tpu.memref_slice %arg9[%dma_start3A_22] : memref<100096xi32, #tpu.memory_space<vmem_shared>> -> memref<100096xi32, #tpu.memory_space<vmem_shared>>
    tpu.enqueue_indirect_dma source(%dma_start3A_23 : memref<100096xi32, #tpu.memory_space<vmem_shared>>) target(%dma_start3A_20 : memref<128xi32, #tpu.memory_space<vmem>>) offsets(%dma_start3A_21 : memref<128xi32, #tpu.memory_space<vmem>>) semaphore(%arg18 : memref<!tpu.dma_semaphore, #tpu.memory_space<semaphore_mem>>)
    %multiple_of3A_24 = arith.constant 384 : i32
    %multiple_of3A_25 = tpu.assume_multiple %multiple_of3A_24, 128 : i32
    %dma_start3A_26 = tpu.memref_slice %arg7[%multiple_of3A_25] : memref<6400xi32, #tpu.memory_space<vmem>> -> memref<128xi32, #tpu.memory_space<vmem>>
    %dma_start3A_27 = tpu.memref_slice %arg6[%multiple_of3A_25] : memref<6400xi32, #tpu.memory_space<vmem>> -> memref<128xi32, #tpu.memory_space<vmem>>
    %dma_start3A_28 = arith.constant 0 : i32
    %dma_start3A_29 = tpu.memref_slice %arg9[%dma_start3A_28] : memref<100096xi32, #tpu.memory_space<vmem_shared>> -> memref<100096xi32, #tpu.memory_space<vmem_shared>>
    tpu.enqueue_indirect_dma source(%dma_start3A_29 : memref<100096xi32, #tpu.memory_space<vmem_shared>>) target(%dma_start3A_26 : memref<128xi32, #tpu.memory_space<vmem>>) offsets(%dma_start3A_27 : memref<128xi32, #tpu.memory_space<vmem>>) semaphore(%arg19 : memref<!tpu.dma_semaphore, #tpu.memory_space<semaphore_mem>>)
    %multiple_of3A_30 = arith.constant 512 : i32
    %multiple_of3A_31 = tpu.assume_multiple %multiple_of3A_30, 128 : i32
    %dma_start3A_32 = tpu.memref_slice %arg7[%multiple_of3A_31] : memref<6400xi32, #tpu.memory_space<vmem>> -> memref<128xi32, #tpu.memory_space<vmem>>
    %dma_start3A_33 = tpu.memref_slice %arg6[%multiple_of3A_31] : memref<6400xi32, #tpu.memory_space<vmem>> -> memref<128xi32, #tpu.memory_space<vmem>>
    %dma_start3A_34 = arith.constant 0 : i32
    %dma_start3A_35 = tpu.memref_slice %arg9[%dma_start3A_34] : memref<100096xi32, #tpu.memory_space<vmem_shared>> -> memref<100096xi32, #tpu.memory_space<vmem_shared>>
    tpu.enqueue_indirect_dma source(%dma_start3A_35 : memref<100096xi32, #tpu.memory_space<vmem_shared>>) target(%dma_start3A_32 : memref<128xi32, #tpu.memory_space<vmem>>) offsets(%dma_start3A_33 : memref<128xi32, #tpu.memory_space<vmem>>) semaphore(%arg20 : memref<!tpu.dma_semaphore, #tpu.memory_space<semaphore_mem>>)
    %multiple_of3A_36 = arith.constant 640 : i32
    %multiple_of3A_37 = tpu.assume_multiple %multiple_of3A_36, 128 : i32
    %dma_start3A_38 = tpu.memref_slice %arg7[%multiple_of3A_37] : memref<6400xi32, #tpu.memory_space<vmem>> -> memref<128xi32, #tpu.memory_space<vmem>>
    %dma_start3A_39 = tpu.memref_slice %arg6[%multiple_of3A_37] : memref<6400xi32, #tpu.memory_space<vmem>> -> memref<128xi32, #tpu.memory_space<vmem>>
    %dma_start3A_40 = arith.constant 0 : i32
    %dma_start3A_41 = tpu.memref_slice %arg9[%dma_start3A_40] : memref<100096xi32, #tpu.memory_space<vmem_shared>> -> memref<100096xi32, #tpu.memory_space<vmem_shared>>
    tpu.enqueue_indirect_dma source(%dma_start3A_41 : memref<100096xi32, #tpu.memory_space<vmem_shared>>) target(%dma_start3A_38 : memref<128xi32, #tpu.memory_space<vmem>>) offsets(%dma_start3A_39 : memref<128xi32, #tpu.memory_space<vmem>>) semaphore(%arg21 : memref<!tpu.dma_semaphore, #tpu.memory_space<semaphore_mem>>)
    %dma_wait3A = arith.constant 0 : i32
    %dma_wait3A_42 = tpu.memref_slice %arg7[%dma_wait3A] : memref<6400xi32, #tpu.memory_space<vmem>> -> memref<128xi32, #tpu.memory_space<vmem>>
    %dma_wait3A_43 = arith.constant 0 : i32
    %dma_wait3A_44 = tpu.memref_slice %arg6[%dma_wait3A_43] : memref<6400xi32, #tpu.memory_space<vmem>> -> memref<128xi32, #tpu.memory_space<vmem>>
    %dma_wait3A_45 = arith.constant 0 : i32
    %dma_wait3A_46 = tpu.memref_slice %arg9[%dma_wait3A_45] : memref<100096xi32, #tpu.memory_space<vmem_shared>> -> memref<100096xi32, #tpu.memory_space<vmem_shared>>
    tpu.wait_indirect_dma semaphore(%arg16 : memref<!tpu.dma_semaphore, #tpu.memory_space<semaphore_mem>>) src(%dma_wait3A_46 : memref<100096xi32, #tpu.memory_space<vmem_shared>>) dst(%dma_wait3A_42 : memref<128xi32, #tpu.memory_space<vmem>>)
    %multiple_of3A_47 = arith.constant 0 : i32
    %multiple_of3A_48 = tpu.assume_multiple %multiple_of3A_47, 128 : i32
    %dma_start3A_49 = tpu.memref_slice %arg7[%multiple_of3A_48] : memref<6400xi32, #tpu.memory_space<vmem>> -> memref<128xi32, #tpu.memory_space<vmem>>
    %dma_start3A_50 = arith.constant 0 : i32
    %dma_start3A_51 = arith.constant 0 : i32
    %dma_start3A_52 = tpu.memref_slice %arg4[%dma_start3A_50, %dma_start3A_51] : memref<100000x128xf32, #tpu.memory_space<hbm>> -> memref<100000x128xf32, #tpu.memory_space<hbm>>
    tpu.enqueue_indirect_dma source(%dma_start3A_52 : memref<100000x128xf32, #tpu.memory_space<hbm>>) target(%arg10 : memref<128x128xf32, #tpu.memory_space<vmem>>) offsets(%dma_start3A_49 : memref<128xi32, #tpu.memory_space<vmem>>) semaphore(%arg22 : memref<!tpu.dma_semaphore, #tpu.memory_space<semaphore_mem>>)
    %multiple_of3A_53 = arith.constant 768 : i32
    %multiple_of3A_54 = tpu.assume_multiple %multiple_of3A_53, 128 : i32
    %dma_start3A_55 = tpu.memref_slice %arg7[%multiple_of3A_54] : memref<6400xi32, #tpu.memory_space<vmem>> -> memref<128xi32, #tpu.memory_space<vmem>>
    %dma_start3A_56 = tpu.memref_slice %arg6[%multiple_of3A_54] : memref<6400xi32, #tpu.memory_space<vmem>> -> memref<128xi32, #tpu.memory_space<vmem>>
    %dma_start3A_57 = arith.constant 0 : i32
    %dma_start3A_58 = tpu.memref_slice %arg9[%dma_start3A_57] : memref<100096xi32, #tpu.memory_space<vmem_shared>> -> memref<100096xi32, #tpu.memory_space<vmem_shared>>
    tpu.enqueue_indirect_dma source(%dma_start3A_58 : memref<100096xi32, #tpu.memory_space<vmem_shared>>) target(%dma_start3A_55 : memref<128xi32, #tpu.memory_space<vmem>>) offsets(%dma_start3A_56 : memref<128xi32, #tpu.memory_space<vmem>>) semaphore(%arg16 : memref<!tpu.dma_semaphore, #tpu.memory_space<semaphore_mem>>)
    %dma_wait3A_59 = arith.constant 0 : i32
    %dma_wait3A_60 = tpu.memref_slice %arg7[%dma_wait3A_59] : memref<6400xi32, #tpu.memory_space<vmem>> -> memref<128xi32, #tpu.memory_space<vmem>>
    %dma_wait3A_61 = arith.constant 0 : i32
    %dma_wait3A_62 = tpu.memref_slice %arg6[%dma_wait3A_61] : memref<6400xi32, #tpu.memory_space<vmem>> -> memref<128xi32, #tpu.memory_space<vmem>>
    %dma_wait3A_63 = arith.constant 0 : i32
    %dma_wait3A_64 = tpu.memref_slice %arg9[%dma_wait3A_63] : memref<100096xi32, #tpu.memory_space<vmem_shared>> -> memref<100096xi32, #tpu.memory_space<vmem_shared>>
    tpu.wait_indirect_dma semaphore(%arg17 : memref<!tpu.dma_semaphore, #tpu.memory_space<semaphore_mem>>) src(%dma_wait3A_64 : memref<100096xi32, #tpu.memory_space<vmem_shared>>) dst(%dma_wait3A_60 : memref<128xi32, #tpu.memory_space<vmem>>)
    %multiple_of3A_65 = arith.constant 128 : i32
    %multiple_of3A_66 = tpu.assume_multiple %multiple_of3A_65, 128 : i32
    %dma_start3A_67 = tpu.memref_slice %arg7[%multiple_of3A_66] : memref<6400xi32, #tpu.memory_space<vmem>> -> memref<128xi32, #tpu.memory_space<vmem>>
    %dma_start3A_68 = arith.constant 0 : i32
    %dma_start3A_69 = arith.constant 0 : i32
    %dma_start3A_70 = tpu.memref_slice %arg4[%dma_start3A_68, %dma_start3A_69] : memref<100000x128xf32, #tpu.memory_space<hbm>> -> memref<100000x128xf32, #tpu.memory_space<hbm>>
    tpu.enqueue_indirect_dma source(%dma_start3A_70 : memref<100000x128xf32, #tpu.memory_space<hbm>>) target(%arg11 : memref<128x128xf32, #tpu.memory_space<vmem>>) offsets(%dma_start3A_67 : memref<128xi32, #tpu.memory_space<vmem>>) semaphore(%arg23 : memref<!tpu.dma_semaphore, #tpu.memory_space<semaphore_mem>>)
    %multiple_of3A_71 = arith.constant 896 : i32
    %multiple_of3A_72 = tpu.assume_multiple %multiple_of3A_71, 128 : i32
    %dma_start3A_73 = tpu.memref_slice %arg7[%multiple_of3A_72] : memref<6400xi32, #tpu.memory_space<vmem>> -> memref<128xi32, #tpu.memory_space<vmem>>
    %dma_start3A_74 = tpu.memref_slice %arg6[%multiple_of3A_72] : memref<6400xi32, #tpu.memory_space<vmem>> -> memref<128xi32, #tpu.memory_space<vmem>>
    %dma_start3A_75 = arith.constant 0 : i32
    %dma_start3A_76 = tpu.memref_slice %arg9[%dma_start3A_75] : memref<100096xi32, #tpu.memory_space<vmem_shared>> -> memref<100096xi32, #tpu.memory_space<vmem_shared>>
    tpu.enqueue_indirect_dma source(%dma_start3A_76 : memref<100096xi32, #tpu.memory_space<vmem_shared>>) target(%dma_start3A_73 : memref<128xi32, #tpu.memory_space<vmem>>) offsets(%dma_start3A_74 : memref<128xi32, #tpu.memory_space<vmem>>) semaphore(%arg17 : memref<!tpu.dma_semaphore, #tpu.memory_space<semaphore_mem>>)
    %dma_wait3A_77 = arith.constant 0 : i32
    %dma_wait3A_78 = tpu.memref_slice %arg7[%dma_wait3A_77] : memref<6400xi32, #tpu.memory_space<vmem>> -> memref<128xi32, #tpu.memory_space<vmem>>
    %dma_wait3A_79 = arith.constant 0 : i32
    %dma_wait3A_80 = tpu.memref_slice %arg6[%dma_wait3A_79] : memref<6400xi32, #tpu.memory_space<vmem>> -> memref<128xi32, #tpu.memory_space<vmem>>
    %dma_wait3A_81 = arith.constant 0 : i32
    %dma_wait3A_82 = tpu.memref_slice %arg9[%dma_wait3A_81] : memref<100096xi32, #tpu.memory_space<vmem_shared>> -> memref<100096xi32, #tpu.memory_space<vmem_shared>>
    tpu.wait_indirect_dma semaphore(%arg18 : memref<!tpu.dma_semaphore, #tpu.memory_space<semaphore_mem>>) src(%dma_wait3A_82 : memref<100096xi32, #tpu.memory_space<vmem_shared>>) dst(%dma_wait3A_78 : memref<128xi32, #tpu.memory_space<vmem>>)
    %multiple_of3A_83 = arith.constant 256 : i32
    %multiple_of3A_84 = tpu.assume_multiple %multiple_of3A_83, 128 : i32
    %dma_start3A_85 = tpu.memref_slice %arg7[%multiple_of3A_84] : memref<6400xi32, #tpu.memory_space<vmem>> -> memref<128xi32, #tpu.memory_space<vmem>>
    %dma_start3A_86 = arith.constant 0 : i32
    %dma_start3A_87 = arith.constant 0 : i32
    %dma_start3A_88 = tpu.memref_slice %arg4[%dma_start3A_86, %dma_start3A_87] : memref<100000x128xf32, #tpu.memory_space<hbm>> -> memref<100000x128xf32, #tpu.memory_space<hbm>>
    tpu.enqueue_indirect_dma source(%dma_start3A_88 : memref<100000x128xf32, #tpu.memory_space<hbm>>) target(%arg12 : memref<128x128xf32, #tpu.memory_space<vmem>>) offsets(%dma_start3A_85 : memref<128xi32, #tpu.memory_space<vmem>>) semaphore(%arg24 : memref<!tpu.dma_semaphore, #tpu.memory_space<semaphore_mem>>)
    %multiple_of3A_89 = arith.constant 1024 : i32
    %multiple_of3A_90 = tpu.assume_multiple %multiple_of3A_89, 128 : i32
    %dma_start3A_91 = tpu.memref_slice %arg7[%multiple_of3A_90] : memref<6400xi32, #tpu.memory_space<vmem>> -> memref<128xi32, #tpu.memory_space<vmem>>
    %dma_start3A_92 = tpu.memref_slice %arg6[%multiple_of3A_90] : memref<6400xi32, #tpu.memory_space<vmem>> -> memref<128xi32, #tpu.memory_space<vmem>>
    %dma_start3A_93 = arith.constant 0 : i32
    %dma_start3A_94 = tpu.memref_slice %arg9[%dma_start3A_93] : memref<100096xi32, #tpu.memory_space<vmem_shared>> -> memref<100096xi32, #tpu.memory_space<vmem_shared>>
    tpu.enqueue_indirect_dma source(%dma_start3A_94 : memref<100096xi32, #tpu.memory_space<vmem_shared>>) target(%dma_start3A_91 : memref<128xi32, #tpu.memory_space<vmem>>) offsets(%dma_start3A_92 : memref<128xi32, #tpu.memory_space<vmem>>) semaphore(%arg18 : memref<!tpu.dma_semaphore, #tpu.memory_space<semaphore_mem>>)
    %dma_wait3A_95 = arith.constant 0 : i32
    %dma_wait3A_96 = tpu.memref_slice %arg7[%dma_wait3A_95] : memref<6400xi32, #tpu.memory_space<vmem>> -> memref<128xi32, #tpu.memory_space<vmem>>
    %dma_wait3A_97 = arith.constant 0 : i32
    %dma_wait3A_98 = tpu.memref_slice %arg6[%dma_wait3A_97] : memref<6400xi32, #tpu.memory_space<vmem>> -> memref<128xi32, #tpu.memory_space<vmem>>
    %dma_wait3A_99 = arith.constant 0 : i32
    %dma_wait3A_100 = tpu.memref_slice %arg9[%dma_wait3A_99] : memref<100096xi32, #tpu.memory_space<vmem_shared>> -> memref<100096xi32, #tpu.memory_space<vmem_shared>>
    tpu.wait_indirect_dma semaphore(%arg19 : memref<!tpu.dma_semaphore, #tpu.memory_space<semaphore_mem>>) src(%dma_wait3A_100 : memref<100096xi32, #tpu.memory_space<vmem_shared>>) dst(%dma_wait3A_96 : memref<128xi32, #tpu.memory_space<vmem>>)
    %multiple_of3A_101 = arith.constant 384 : i32
    %multiple_of3A_102 = tpu.assume_multiple %multiple_of3A_101, 128 : i32
    %dma_start3A_103 = tpu.memref_slice %arg7[%multiple_of3A_102] : memref<6400xi32, #tpu.memory_space<vmem>> -> memref<128xi32, #tpu.memory_space<vmem>>
    %dma_start3A_104 = arith.constant 0 : i32
    %dma_start3A_105 = arith.constant 0 : i32
    %dma_start3A_106 = tpu.memref_slice %arg4[%dma_start3A_104, %dma_start3A_105] : memref<100000x128xf32, #tpu.memory_space<hbm>> -> memref<100000x128xf32, #tpu.memory_space<hbm>>
    tpu.enqueue_indirect_dma source(%dma_start3A_106 : memref<100000x128xf32, #tpu.memory_space<hbm>>) target(%arg13 : memref<128x128xf32, #tpu.memory_space<vmem>>) offsets(%dma_start3A_103 : memref<128xi32, #tpu.memory_space<vmem>>) semaphore(%arg25 : memref<!tpu.dma_semaphore, #tpu.memory_space<semaphore_mem>>)
    %multiple_of3A_107 = arith.constant 1152 : i32
    %multiple_of3A_108 = tpu.assume_multiple %multiple_of3A_107, 128 : i32
    %dma_start3A_109 = tpu.memref_slice %arg7[%multiple_of3A_108] : memref<6400xi32, #tpu.memory_space<vmem>> -> memref<128xi32, #tpu.memory_space<vmem>>
    %dma_start3A_110 = tpu.memref_slice %arg6[%multiple_of3A_108] : memref<6400xi32, #tpu.memory_space<vmem>> -> memref<128xi32, #tpu.memory_space<vmem>>
    %dma_start3A_111 = arith.constant 0 : i32
    %dma_start3A_112 = tpu.memref_slice %arg9[%dma_start3A_111] : memref<100096xi32, #tpu.memory_space<vmem_shared>> -> memref<100096xi32, #tpu.memory_space<vmem_shared>>
    tpu.enqueue_indirect_dma source(%dma_start3A_112 : memref<100096xi32, #tpu.memory_space<vmem_shared>>) target(%dma_start3A_109 : memref<128xi32, #tpu.memory_space<vmem>>) offsets(%dma_start3A_110 : memref<128xi32, #tpu.memory_space<vmem>>) semaphore(%arg19 : memref<!tpu.dma_semaphore, #tpu.memory_space<semaphore_mem>>)
    %dma_wait3A_113 = arith.constant 0 : i32
    %dma_wait3A_114 = tpu.memref_slice %arg7[%dma_wait3A_113] : memref<6400xi32, #tpu.memory_space<vmem>> -> memref<128xi32, #tpu.memory_space<vmem>>
    %dma_wait3A_115 = arith.constant 0 : i32
    %dma_wait3A_116 = tpu.memref_slice %arg6[%dma_wait3A_115] : memref<6400xi32, #tpu.memory_space<vmem>> -> memref<128xi32, #tpu.memory_space<vmem>>
    %dma_wait3A_117 = arith.constant 0 : i32
    %dma_wait3A_118 = tpu.memref_slice %arg9[%dma_wait3A_117] : memref<100096xi32, #tpu.memory_space<vmem_shared>> -> memref<100096xi32, #tpu.memory_space<vmem_shared>>
    tpu.wait_indirect_dma semaphore(%arg20 : memref<!tpu.dma_semaphore, #tpu.memory_space<semaphore_mem>>) src(%dma_wait3A_118 : memref<100096xi32, #tpu.memory_space<vmem_shared>>) dst(%dma_wait3A_114 : memref<128xi32, #tpu.memory_space<vmem>>)
    %multiple_of3A_119 = arith.constant 512 : i32
    %multiple_of3A_120 = tpu.assume_multiple %multiple_of3A_119, 128 : i32
    %dma_start3A_121 = tpu.memref_slice %arg7[%multiple_of3A_120] : memref<6400xi32, #tpu.memory_space<vmem>> -> memref<128xi32, #tpu.memory_space<vmem>>
    %dma_start3A_122 = arith.constant 0 : i32
    %dma_start3A_123 = arith.constant 0 : i32
    %dma_start3A_124 = tpu.memref_slice %arg4[%dma_start3A_122, %dma_start3A_123] : memref<100000x128xf32, #tpu.memory_space<hbm>> -> memref<100000x128xf32, #tpu.memory_space<hbm>>
    tpu.enqueue_indirect_dma source(%dma_start3A_124 : memref<100000x128xf32, #tpu.memory_space<hbm>>) target(%arg14 : memref<128x128xf32, #tpu.memory_space<vmem>>) offsets(%dma_start3A_121 : memref<128xi32, #tpu.memory_space<vmem>>) semaphore(%arg26 : memref<!tpu.dma_semaphore, #tpu.memory_space<semaphore_mem>>)
    %multiple_of3A_125 = arith.constant 1280 : i32
    %multiple_of3A_126 = tpu.assume_multiple %multiple_of3A_125, 128 : i32
    %dma_start3A_127 = tpu.memref_slice %arg7[%multiple_of3A_126] : memref<6400xi32, #tpu.memory_space<vmem>> -> memref<128xi32, #tpu.memory_space<vmem>>
    %dma_start3A_128 = tpu.memref_slice %arg6[%multiple_of3A_126] : memref<6400xi32, #tpu.memory_space<vmem>> -> memref<128xi32, #tpu.memory_space<vmem>>
    %dma_start3A_129 = arith.constant 0 : i32
    %dma_start3A_130 = tpu.memref_slice %arg9[%dma_start3A_129] : memref<100096xi32, #tpu.memory_space<vmem_shared>> -> memref<100096xi32, #tpu.memory_space<vmem_shared>>
    tpu.enqueue_indirect_dma source(%dma_start3A_130 : memref<100096xi32, #tpu.memory_space<vmem_shared>>) target(%dma_start3A_127 : memref<128xi32, #tpu.memory_space<vmem>>) offsets(%dma_start3A_128 : memref<128xi32, #tpu.memory_space<vmem>>) semaphore(%arg20 : memref<!tpu.dma_semaphore, #tpu.memory_space<semaphore_mem>>)
    %dma_wait3A_131 = arith.constant 0 : i32
    %dma_wait3A_132 = tpu.memref_slice %arg7[%dma_wait3A_131] : memref<6400xi32, #tpu.memory_space<vmem>> -> memref<128xi32, #tpu.memory_space<vmem>>
    %dma_wait3A_133 = arith.constant 0 : i32
    %dma_wait3A_134 = arith.constant 0 : i32
    %dma_wait3A_135 = tpu.memref_slice %arg4[%dma_wait3A_133, %dma_wait3A_134] : memref<100000x128xf32, #tpu.memory_space<hbm>> -> memref<100000x128xf32, #tpu.memory_space<hbm>>
    tpu.wait_indirect_dma semaphore(%arg22 : memref<!tpu.dma_semaphore, #tpu.memory_space<semaphore_mem>>) src(%dma_wait3A_135 : memref<100000x128xf32, #tpu.memory_space<hbm>>) dst(%arg10 : memref<128x128xf32, #tpu.memory_space<vmem>>)
    %dma_start3A_136 = arith.constant 0 : i32
    %dma_start3A_137 = arith.constant 0 : i32
    %dma_start3A_138 = tpu.memref_slice %arg5[%dma_start3A_136, %mul3A_4, %dma_start3A_137] : memref<50x4096x128xf32, #tpu.memory_space<hbm>> -> memref<1x128x128xf32, #tpu.memory_space<hbm>>
    %dma_start3A_139 = tpu.memref_squeeze %dma_start3A_138 : memref<1x128x128xf32, #tpu.memory_space<hbm>> -> memref<128x128xf32, #tpu.memory_space<hbm>>
    %dma_start3A_140 = arith.constant 0 : i32
    %dma_start3A_141 = tpu.memref_slice %arg5[%dma_start3A_136, %mul3A_4, %dma_start3A_140] : memref<50x4096x128xf32, #tpu.memory_space<hbm>> -> memref<1x128x128xf32, #tpu.memory_space<hbm>>
    %dma_start3A_142 = tpu.memref_squeeze %dma_start3A_141 : memref<1x128x128xf32, #tpu.memory_space<hbm>> -> memref<128x128xf32, #tpu.memory_space<hbm>>
    tpu.enqueue_dma source(%arg10 : memref<128x128xf32, #tpu.memory_space<vmem>>) target(%dma_start3A_142 : memref<128x128xf32, #tpu.memory_space<hbm>>) target_semaphore(%arg28 : memref<!tpu.dma_semaphore, #tpu.memory_space<semaphore_mem>>)
    %dma_wait3A_143 = arith.constant 0 : i32
    %dma_wait3A_144 = tpu.memref_slice %arg7[%dma_wait3A_143] : memref<6400xi32, #tpu.memory_space<vmem>> -> memref<128xi32, #tpu.memory_space<vmem>>
    %dma_wait3A_145 = arith.constant 0 : i32
    %dma_wait3A_146 = tpu.memref_slice %arg6[%dma_wait3A_145] : memref<6400xi32, #tpu.memory_space<vmem>> -> memref<128xi32, #tpu.memory_space<vmem>>
    %dma_wait3A_147 = arith.constant 0 : i32
    %dma_wait3A_148 = tpu.memref_slice %arg9[%dma_wait3A_147] : memref<100096xi32, #tpu.memory_space<vmem_shared>> -> memref<100096xi32, #tpu.memory_space<vmem_shared>>
    tpu.wait_indirect_dma semaphore(%arg21 : memref<!tpu.dma_semaphore, #tpu.memory_space<semaphore_mem>>) src(%dma_wait3A_148 : memref<100096xi32, #tpu.memory_space<vmem_shared>>) dst(%dma_wait3A_144 : memref<128xi32, #tpu.memory_space<vmem>>)
    %multiple_of3A_149 = arith.constant 640 : i32
    %multiple_of3A_150 = tpu.assume_multiple %multiple_of3A_149, 128 : i32
    %dma_start3A_151 = tpu.memref_slice %arg7[%multiple_of3A_150] : memref<6400xi32, #tpu.memory_space<vmem>> -> memref<128xi32, #tpu.memory_space<vmem>>
    %dma_start3A_152 = arith.constant 0 : i32
    %dma_start3A_153 = arith.constant 0 : i32
    %dma_start3A_154 = tpu.memref_slice %arg4[%dma_start3A_152, %dma_start3A_153] : memref<100000x128xf32, #tpu.memory_space<hbm>> -> memref<100000x128xf32, #tpu.memory_space<hbm>>
    tpu.enqueue_indirect_dma source(%dma_start3A_154 : memref<100000x128xf32, #tpu.memory_space<hbm>>) target(%arg15 : memref<128x128xf32, #tpu.memory_space<vmem>>) offsets(%dma_start3A_151 : memref<128xi32, #tpu.memory_space<vmem>>) semaphore(%arg27 : memref<!tpu.dma_semaphore, #tpu.memory_space<semaphore_mem>>)
    %multiple_of3A_155 = arith.constant 1408 : i32
    %multiple_of3A_156 = tpu.assume_multiple %multiple_of3A_155, 128 : i32
    %dma_start3A_157 = tpu.memref_slice %arg7[%multiple_of3A_156] : memref<6400xi32, #tpu.memory_space<vmem>> -> memref<128xi32, #tpu.memory_space<vmem>>
    %dma_start3A_158 = tpu.memref_slice %arg6[%multiple_of3A_156] : memref<6400xi32, #tpu.memory_space<vmem>> -> memref<128xi32, #tpu.memory_space<vmem>>
    %dma_start3A_159 = arith.constant 0 : i32
    %dma_start3A_160 = tpu.memref_slice %arg9[%dma_start3A_159] : memref<100096xi32, #tpu.memory_space<vmem_shared>> -> memref<100096xi32, #tpu.memory_space<vmem_shared>>
    tpu.enqueue_indirect_dma source(%dma_start3A_160 : memref<100096xi32, #tpu.memory_space<vmem_shared>>) target(%dma_start3A_157 : memref<128xi32, #tpu.memory_space<vmem>>) offsets(%dma_start3A_158 : memref<128xi32, #tpu.memory_space<vmem>>) semaphore(%arg21 : memref<!tpu.dma_semaphore, #tpu.memory_space<semaphore_mem>>)
    %dma_wait3A_161 = arith.constant 0 : i32
    %dma_wait3A_162 = tpu.memref_slice %arg7[%dma_wait3A_161] : memref<6400xi32, #tpu.memory_space<vmem>> -> memref<128xi32, #tpu.memory_space<vmem>>
    %dma_wait3A_163 = arith.constant 0 : i32
    %dma_wait3A_164 = arith.constant 0 : i32
    %dma_wait3A_165 = tpu.memref_slice %arg4[%dma_wait3A_163, %dma_wait3A_164] : memref<100000x128xf32, #tpu.memory_space<hbm>> -> memref<100000x128xf32, #tpu.memory_space<hbm>>
    tpu.wait_indirect_dma semaphore(%arg23 : memref<!tpu.dma_semaphore, #tpu.memory_space<semaphore_mem>>) src(%dma_wait3A_165 : memref<100000x128xf32, #tpu.memory_space<hbm>>) dst(%arg11 : memref<128x128xf32, #tpu.memory_space<vmem>>)
    %dma_start3A_166 = arith.constant 1 : i32
    %dma_start3A_167 = arith.constant 0 : i32
    %dma_start3A_168 = tpu.memref_slice %arg5[%dma_start3A_166, %mul3A_4, %dma_start3A_167] : memref<50x4096x128xf32, #tpu.memory_space<hbm>> -> memref<1x128x128xf32, #tpu.memory_space<hbm>>
    %dma_start3A_169 = tpu.memref_squeeze %dma_start3A_168 : memref<1x128x128xf32, #tpu.memory_space<hbm>> -> memref<128x128xf32, #tpu.memory_space<hbm>>
    %dma_start3A_170 = arith.constant 0 : i32
    %dma_start3A_171 = tpu.memref_slice %arg5[%dma_start3A_166, %mul3A_4, %dma_start3A_170] : memref<50x4096x128xf32, #tpu.memory_space<hbm>> -> memref<1x128x128xf32, #tpu.memory_space<hbm>>
    %dma_start3A_172 = tpu.memref_squeeze %dma_start3A_171 : memref<1x128x128xf32, #tpu.memory_space<hbm>> -> memref<128x128xf32, #tpu.memory_space<hbm>>
    tpu.enqueue_dma source(%arg11 : memref<128x128xf32, #tpu.memory_space<vmem>>) target(%dma_start3A_172 : memref<128x128xf32, #tpu.memory_space<hbm>>) target_semaphore(%arg29 : memref<!tpu.dma_semaphore, #tpu.memory_space<semaphore_mem>>)
    %dma_wait3A_173 = arith.constant 0 : i32
    %dma_wait3A_174 = arith.constant 0 : i32
    %dma_wait3A_175 = tpu.memref_slice %arg5[%dma_wait3A_173, %mul3A_4, %dma_wait3A_174] : memref<50x4096x128xf32, #tpu.memory_space<hbm>> -> memref<1x128x128xf32, #tpu.memory_space<hbm>>
    %dma_wait3A_176 = tpu.memref_squeeze %dma_wait3A_175 : memref<1x128x128xf32, #tpu.memory_space<hbm>> -> memref<128x128xf32, #tpu.memory_space<hbm>>
    %dma_wait3A_177 = arith.constant 0 : i32
    %dma_wait3A_178 = tpu.memref_slice %arg5[%dma_wait3A_173, %mul3A_4, %dma_wait3A_177] : memref<50x4096x128xf32, #tpu.memory_space<hbm>> -> memref<1x128x128xf32, #tpu.memory_space<hbm>>
    %dma_wait3A_179 = tpu.memref_squeeze %dma_wait3A_178 : memref<1x128x128xf32, #tpu.memory_space<hbm>> -> memref<128x128xf32, #tpu.memory_space<hbm>>
    tpu.wait_dma2 semaphore(%arg28 : memref<!tpu.dma_semaphore, #tpu.memory_space<semaphore_mem>>) src(%arg10 : memref<128x128xf32, #tpu.memory_space<vmem>>) dst(%dma_wait3A_179 : memref<128x128xf32, #tpu.memory_space<hbm>>)
    %dma_wait3A_180 = arith.constant 0 : i32
    %dma_wait3A_181 = tpu.memref_slice %arg7[%dma_wait3A_180] : memref<6400xi32, #tpu.memory_space<vmem>> -> memref<128xi32, #tpu.memory_space<vmem>>
    %dma_wait3A_182 = arith.constant 0 : i32
    %dma_wait3A_183 = tpu.memref_slice %arg6[%dma_wait3A_182] : memref<6400xi32, #tpu.memory_space<vmem>> -> memref<128xi32, #tpu.memory_space<vmem>>
    %dma_wait3A_184 = arith.constant 0 : i32
    %dma_wait3A_185 = tpu.memref_slice %arg9[%dma_wait3A_184] : memref<100096xi32, #tpu.memory_space<vmem_shared>> -> memref<100096xi32, #tpu.memory_space<vmem_shared>>
    tpu.wait_indirect_dma semaphore(%arg16 : memref<!tpu.dma_semaphore, #tpu.memory_space<semaphore_mem>>) src(%dma_wait3A_185 : memref<100096xi32, #tpu.memory_space<vmem_shared>>) dst(%dma_wait3A_181 : memref<128xi32, #tpu.memory_space<vmem>>)
    %multiple_of3A_186 = arith.constant 768 : i32
    %multiple_of3A_187 = tpu.assume_multiple %multiple_of3A_186, 128 : i32
    %dma_start3A_188 = tpu.memref_slice %arg7[%multiple_of3A_187] : memref<6400xi32, #tpu.memory_space<vmem>> -> memref<128xi32, #tpu.memory_space<vmem>>
    %dma_start3A_189 = arith.constant 0 : i32
    %dma_start3A_190 = arith.constant 0 : i32
    %dma_start3A_191 = tpu.memref_slice %arg4[%dma_start3A_189, %dma_start3A_190] : memref<100000x128xf32, #tpu.memory_space<hbm>> -> memref<100000x128xf32, #tpu.memory_space<hbm>>
    tpu.enqueue_indirect_dma source(%dma_start3A_191 : memref<100000x128xf32, #tpu.memory_space<hbm>>) target(%arg10 : memref<128x128xf32, #tpu.memory_space<vmem>>) offsets(%dma_start3A_188 : memref<128xi32, #tpu.memory_space<vmem>>) semaphore(%arg22 : memref<!tpu.dma_semaphore, #tpu.memory_space<semaphore_mem>>)
    %multiple_of3A_192 = arith.constant 1536 : i32
    %multiple_of3A_193 = tpu.assume_multiple %multiple_of3A_192, 128 : i32
    %dma_start3A_194 = tpu.memref_slice %arg7[%multiple_of3A_193] : memref<6400xi32, #tpu.memory_space<vmem>> -> memref<128xi32, #tpu.memory_space<vmem>>
    %dma_start3A_195 = tpu.memref_slice %arg6[%multiple_of3A_193] : memref<6400xi32, #tpu.memory_space<vmem>> -> memref<128xi32, #tpu.memory_space<vmem>>
    %dma_start3A_196 = arith.constant 0 : i32
    %dma_start3A_197 = tpu.memref_slice %arg9[%dma_start3A_196] : memref<100096xi32, #tpu.memory_space<vmem_shared>> -> memref<100096xi32, #tpu.memory_space<vmem_shared>>
    tpu.enqueue_indirect_dma source(%dma_start3A_197 : memref<100096xi32, #tpu.memory_space<vmem_shared>>) target(%dma_start3A_194 : memref<128xi32, #tpu.memory_space<vmem>>) offsets(%dma_start3A_195 : memref<128xi32, #tpu.memory_space<vmem>>) semaphore(%arg16 : memref<!tpu.dma_semaphore, #tpu.memory_space<semaphore_mem>>)
    %dma_wait3A_198 = arith.constant 0 : i32
    %dma_wait3A_199 = tpu.memref_slice %arg7[%dma_wait3A_198] : memref<6400xi32, #tpu.memory_space<vmem>> -> memref<128xi32, #tpu.memory_space<vmem>>
    %dma_wait3A_200 = arith.constant 0 : i32
    %dma_wait3A_201 = arith.constant 0 : i32
    %dma_wait3A_202 = tpu.memref_slice %arg4[%dma_wait3A_200, %dma_wait3A_201] : memref<100000x128xf32, #tpu.memory_space<hbm>> -> memref<100000x128xf32, #tpu.memory_space<hbm>>
    tpu.wait_indirect_dma semaphore(%arg24 : memref<!tpu.dma_semaphore, #tpu.memory_space<semaphore_mem>>) src(%dma_wait3A_202 : memref<100000x128xf32, #tpu.memory_space<hbm>>) dst(%arg12 : memref<128x128xf32, #tpu.memory_space<vmem>>)
    %dma_start3A_203 = arith.constant 2 : i32
    %dma_start3A_204 = arith.constant 0 : i32
    %dma_start3A_205 = tpu.memref_slice %arg5[%dma_start3A_203, %mul3A_4, %dma_start3A_204] : memref<50x4096x128xf32, #tpu.memory_space<hbm>> -> memref<1x128x128xf32, #tpu.memory_space<hbm>>
    %dma_start3A_206 = tpu.memref_squeeze %dma_start3A_205 : memref<1x128x128xf32, #tpu.memory_space<hbm>> -> memref<128x128xf32, #tpu.memory_space<hbm>>
    %dma_start3A_207 = arith.constant 0 : i32
    %dma_start3A_208 = tpu.memref_slice %arg5[%dma_start3A_203, %mul3A_4, %dma_start3A_207] : memref<50x4096x128xf32, #tpu.memory_space<hbm>> -> memref<1x128x128xf32, #tpu.memory_space<hbm>>
    %dma_start3A_209 = tpu.memref_squeeze %dma_start3A_208 : memref<1x128x128xf32, #tpu.memory_space<hbm>> -> memref<128x128xf32, #tpu.memory_space<hbm>>
    tpu.enqueue_dma source(%arg12 : memref<128x128xf32, #tpu.memory_space<vmem>>) target(%dma_start3A_209 : memref<128x128xf32, #tpu.memory_space<hbm>>) target_semaphore(%arg30 : memref<!tpu.dma_semaphore, #tpu.memory_space<semaphore_mem>>)
    %dma_wait3A_210 = arith.constant 0 : i32
    %dma_wait3A_211 = arith.constant 0 : i32
    %dma_wait3A_212 = tpu.memref_slice %arg5[%dma_wait3A_210, %mul3A_4, %dma_wait3A_211] : memref<50x4096x128xf32, #tpu.memory_space<hbm>> -> memref<1x128x128xf32, #tpu.memory_space<hbm>>
    %dma_wait3A_213 = tpu.memref_squeeze %dma_wait3A_212 : memref<1x128x128xf32, #tpu.memory_space<hbm>> -> memref<128x128xf32, #tpu.memory_space<hbm>>
    %dma_wait3A_214 = arith.constant 0 : i32
    %dma_wait3A_215 = tpu.memref_slice %arg5[%dma_wait3A_210, %mul3A_4, %dma_wait3A_214] : memref<50x4096x128xf32, #tpu.memory_space<hbm>> -> memref<1x128x128xf32, #tpu.memory_space<hbm>>
    %dma_wait3A_216 = tpu.memref_squeeze %dma_wait3A_215 : memref<1x128x128xf32, #tpu.memory_space<hbm>> -> memref<128x128xf32, #tpu.memory_space<hbm>>
    tpu.wait_dma2 semaphore(%arg29 : memref<!tpu.dma_semaphore, #tpu.memory_space<semaphore_mem>>) src(%arg11 : memref<128x128xf32, #tpu.memory_space<vmem>>) dst(%dma_wait3A_216 : memref<128x128xf32, #tpu.memory_space<hbm>>)
    %dma_wait3A_217 = arith.constant 0 : i32
    %dma_wait3A_218 = tpu.memref_slice %arg7[%dma_wait3A_217] : memref<6400xi32, #tpu.memory_space<vmem>> -> memref<128xi32, #tpu.memory_space<vmem>>
    %dma_wait3A_219 = arith.constant 0 : i32
    %dma_wait3A_220 = tpu.memref_slice %arg6[%dma_wait3A_219] : memref<6400xi32, #tpu.memory_space<vmem>> -> memref<128xi32, #tpu.memory_space<vmem>>
    %dma_wait3A_221 = arith.constant 0 : i32
    %dma_wait3A_222 = tpu.memref_slice %arg9[%dma_wait3A_221] : memref<100096xi32, #tpu.memory_space<vmem_shared>> -> memref<100096xi32, #tpu.memory_space<vmem_shared>>
    tpu.wait_indirect_dma semaphore(%arg17 : memref<!tpu.dma_semaphore, #tpu.memory_space<semaphore_mem>>) src(%dma_wait3A_222 : memref<100096xi32, #tpu.memory_space<vmem_shared>>) dst(%dma_wait3A_218 : memref<128xi32, #tpu.memory_space<vmem>>)
    %multiple_of3A_223 = arith.constant 896 : i32
    %multiple_of3A_224 = tpu.assume_multiple %multiple_of3A_223, 128 : i32
    %dma_start3A_225 = tpu.memref_slice %arg7[%multiple_of3A_224] : memref<6400xi32, #tpu.memory_space<vmem>> -> memref<128xi32, #tpu.memory_space<vmem>>
    %dma_start3A_226 = arith.constant 0 : i32
    %dma_start3A_227 = arith.constant 0 : i32
    %dma_start3A_228 = tpu.memref_slice %arg4[%dma_start3A_226, %dma_start3A_227] : memref<100000x128xf32, #tpu.memory_space<hbm>> -> memref<100000x128xf32, #tpu.memory_space<hbm>>
    tpu.enqueue_indirect_dma source(%dma_start3A_228 : memref<100000x128xf32, #tpu.memory_space<hbm>>) target(%arg11 : memref<128x128xf32, #tpu.memory_space<vmem>>) offsets(%dma_start3A_225 : memref<128xi32, #tpu.memory_space<vmem>>) semaphore(%arg23 : memref<!tpu.dma_semaphore, #tpu.memory_space<semaphore_mem>>)
    %multiple_of3A_229 = arith.constant 1664 : i32
    %multiple_of3A_230 = tpu.assume_multiple %multiple_of3A_229, 128 : i32
    %dma_start3A_231 = tpu.memref_slice %arg7[%multiple_of3A_230] : memref<6400xi32, #tpu.memory_space<vmem>> -> memref<128xi32, #tpu.memory_space<vmem>>
    %dma_start3A_232 = tpu.memref_slice %arg6[%multiple_of3A_230] : memref<6400xi32, #tpu.memory_space<vmem>> -> memref<128xi32, #tpu.memory_space<vmem>>
    %dma_start3A_233 = arith.constant 0 : i32
    %dma_start3A_234 = tpu.memref_slice %arg9[%dma_start3A_233] : memref<100096xi32, #tpu.memory_space<vmem_shared>> -> memref<100096xi32, #tpu.memory_space<vmem_shared>>
    tpu.enqueue_indirect_dma source(%dma_start3A_234 : memref<100096xi32, #tpu.memory_space<vmem_shared>>) target(%dma_start3A_231 : memref<128xi32, #tpu.memory_space<vmem>>) offsets(%dma_start3A_232 : memref<128xi32, #tpu.memory_space<vmem>>) semaphore(%arg17 : memref<!tpu.dma_semaphore, #tpu.memory_space<semaphore_mem>>)
    %scan3A = arith.constant 0 : i32
    %scan3A_235 = arith.constant 0 : i32
    %scan3A_236 = arith.constant 7 : i32
    %scan3A_237 = arith.addi %scan3A_235, %scan3A_236 : i32
    %scan3A_238 = arith.constant 1 : i32
    scf.for %scan3A_342 = %scan3A_235 to %scan3A_237 step %scan3A_238  : i32 {
      %mul3A_343 = arith.constant 6 : i32
      %mul3A_344 = arith.muli %scan3A_342, %mul3A_343 : i32
      %add3A_345 = arith.constant 3 : i32
      %add3A_346 = arith.addi %mul3A_344, %add3A_345 : i32
      %add3A_347 = arith.constant 0 : i32
      %add3A_348 = arith.addi %add3A_346, %add3A_347 : i32
      %dma_wait3A_349 = arith.constant 0 : i32
      %dma_wait3A_350 = tpu.memref_slice %arg7[%dma_wait3A_349] : memref<6400xi32, #tpu.memory_space<vmem>> -> memref<128xi32, #tpu.memory_space<vmem>>
      %dma_wait3A_351 = arith.constant 0 : i32
      %dma_wait3A_352 = arith.constant 0 : i32
      %dma_wait3A_353 = tpu.memref_slice %arg4[%dma_wait3A_351, %dma_wait3A_352] : memref<100000x128xf32, #tpu.memory_space<hbm>> -> memref<100000x128xf32, #tpu.memory_space<hbm>>
      tpu.wait_indirect_dma semaphore(%arg25 : memref<!tpu.dma_semaphore, #tpu.memory_space<semaphore_mem>>) src(%dma_wait3A_353 : memref<100000x128xf32, #tpu.memory_space<hbm>>) dst(%arg13 : memref<128x128xf32, #tpu.memory_space<vmem>>)
      %dma_start3A_354 = arith.constant 0 : i32
      %dma_start3A_355 = tpu.memref_slice %arg5[%add3A_348, %mul3A_4, %dma_start3A_354] : memref<50x4096x128xf32, #tpu.memory_space<hbm>> -> memref<1x128x128xf32, #tpu.memory_space<hbm>>
      %dma_start3A_356 = tpu.memref_squeeze %dma_start3A_355 : memref<1x128x128xf32, #tpu.memory_space<hbm>> -> memref<128x128xf32, #tpu.memory_space<hbm>>
      %dma_start3A_357 = arith.constant 0 : i32
      %dma_start3A_358 = tpu.memref_slice %arg5[%add3A_348, %mul3A_4, %dma_start3A_357] : memref<50x4096x128xf32, #tpu.memory_space<hbm>> -> memref<1x128x128xf32, #tpu.memory_space<hbm>>
      %dma_start3A_359 = tpu.memref_squeeze %dma_start3A_358 : memref<1x128x128xf32, #tpu.memory_space<hbm>> -> memref<128x128xf32, #tpu.memory_space<hbm>>
      tpu.enqueue_dma source(%arg13 : memref<128x128xf32, #tpu.memory_space<vmem>>) target(%dma_start3A_359 : memref<128x128xf32, #tpu.memory_space<hbm>>) target_semaphore(%arg31 : memref<!tpu.dma_semaphore, #tpu.memory_space<semaphore_mem>>)
      %dma_wait3A_360 = arith.constant 0 : i32
      %dma_wait3A_361 = arith.constant 0 : i32
      %dma_wait3A_362 = tpu.memref_slice %arg5[%dma_wait3A_360, %mul3A_4, %dma_wait3A_361] : memref<50x4096x128xf32, #tpu.memory_space<hbm>> -> memref<1x128x128xf32, #tpu.memory_space<hbm>>
      %dma_wait3A_363 = tpu.memref_squeeze %dma_wait3A_362 : memref<1x128x128xf32, #tpu.memory_space<hbm>> -> memref<128x128xf32, #tpu.memory_space<hbm>>
      %dma_wait3A_364 = arith.constant 0 : i32
      %dma_wait3A_365 = tpu.memref_slice %arg5[%dma_wait3A_360, %mul3A_4, %dma_wait3A_364] : memref<50x4096x128xf32, #tpu.memory_space<hbm>> -> memref<1x128x128xf32, #tpu.memory_space<hbm>>
      %dma_wait3A_366 = tpu.memref_squeeze %dma_wait3A_365 : memref<1x128x128xf32, #tpu.memory_space<hbm>> -> memref<128x128xf32, #tpu.memory_space<hbm>>
      tpu.wait_dma2 semaphore(%arg30 : memref<!tpu.dma_semaphore, #tpu.memory_space<semaphore_mem>>) src(%arg12 : memref<128x128xf32, #tpu.memory_space<vmem>>) dst(%dma_wait3A_366 : memref<128x128xf32, #tpu.memory_space<hbm>>)
      %add3A_367 = arith.constant 6 : i32
      %add3A_368 = arith.addi %add3A_348, %add3A_367 : i32
      %sub3A = arith.constant 1 : i32
      %sub3A_369 = arith.subi %add3A_368, %sub3A : i32
      %dma_wait3A_370 = arith.constant 0 : i32
      %dma_wait3A_371 = tpu.memref_slice %arg7[%dma_wait3A_370] : memref<6400xi32, #tpu.memory_space<vmem>> -> memref<128xi32, #tpu.memory_space<vmem>>
      %dma_wait3A_372 = arith.constant 0 : i32
      %dma_wait3A_373 = tpu.memref_slice %arg6[%dma_wait3A_372] : memref<6400xi32, #tpu.memory_space<vmem>> -> memref<128xi32, #tpu.memory_space<vmem>>
      %dma_wait3A_374 = arith.constant 0 : i32
      %dma_wait3A_375 = tpu.memref_slice %arg9[%dma_wait3A_374] : memref<100096xi32, #tpu.memory_space<vmem_shared>> -> memref<100096xi32, #tpu.memory_space<vmem_shared>>
      tpu.wait_indirect_dma semaphore(%arg18 : memref<!tpu.dma_semaphore, #tpu.memory_space<semaphore_mem>>) src(%dma_wait3A_375 : memref<100096xi32, #tpu.memory_space<vmem_shared>>) dst(%dma_wait3A_371 : memref<128xi32, #tpu.memory_space<vmem>>)
      %mul3A_376 = arith.constant 128 : i32
      %mul3A_377 = arith.muli %sub3A_369, %mul3A_376 : i32
      %multiple_of3A_378 = tpu.assume_multiple %mul3A_377, 128 : i32
      %dma_start3A_379 = tpu.memref_slice %arg7[%multiple_of3A_378] : memref<6400xi32, #tpu.memory_space<vmem>> -> memref<128xi32, #tpu.memory_space<vmem>>
      %dma_start3A_380 = arith.constant 0 : i32
      %dma_start3A_381 = arith.constant 0 : i32
      %dma_start3A_382 = tpu.memref_slice %arg4[%dma_start3A_380, %dma_start3A_381] : memref<100000x128xf32, #tpu.memory_space<hbm>> -> memref<100000x128xf32, #tpu.memory_space<hbm>>
      tpu.enqueue_indirect_dma source(%dma_start3A_382 : memref<100000x128xf32, #tpu.memory_space<hbm>>) target(%arg12 : memref<128x128xf32, #tpu.memory_space<vmem>>) offsets(%dma_start3A_379 : memref<128xi32, #tpu.memory_space<vmem>>) semaphore(%arg24 : memref<!tpu.dma_semaphore, #tpu.memory_space<semaphore_mem>>)
      %add3A_383 = arith.constant 6 : i32
      %add3A_384 = arith.addi %sub3A_369, %add3A_383 : i32
      %lt3A = arith.constant 50 : i32
      %lt3A_385 = arith.cmpi slt, %add3A_384, %lt3A : i32
      %convert_element_type3A = arith.extui %lt3A_385 : i1 to i32
      %cond3A = arith.constant 0 : i32
      %cond3A_386 = arith.cmpi ne, %convert_element_type3A, %cond3A : i32
      scf.if %cond3A_386 {
        %add3A_627 = arith.constant 6 : i32
        %add3A_628 = arith.addi %sub3A_369, %add3A_627 : i32
        %mul3A_629 = arith.constant 128 : i32
        %mul3A_630 = arith.muli %add3A_628, %mul3A_629 : i32
        %multiple_of3A_631 = tpu.assume_multiple %mul3A_630, 128 : i32
        %dma_start3A_632 = tpu.memref_slice %arg7[%multiple_of3A_631] : memref<6400xi32, #tpu.memory_space<vmem>> -> memref<128xi32, #tpu.memory_space<vmem>>
        %dma_start3A_633 = tpu.memref_slice %arg6[%multiple_of3A_631] : memref<6400xi32, #tpu.memory_space<vmem>> -> memref<128xi32, #tpu.memory_space<vmem>>
        %dma_start3A_634 = arith.constant 0 : i32
        %dma_start3A_635 = tpu.memref_slice %arg9[%dma_start3A_634] : memref<100096xi32, #tpu.memory_space<vmem_shared>> -> memref<100096xi32, #tpu.memory_space<vmem_shared>>
        tpu.enqueue_indirect_dma source(%dma_start3A_635 : memref<100096xi32, #tpu.memory_space<vmem_shared>>) target(%dma_start3A_632 : memref<128xi32, #tpu.memory_space<vmem>>) offsets(%dma_start3A_633 : memref<128xi32, #tpu.memory_space<vmem>>) semaphore(%arg18 : memref<!tpu.dma_semaphore, #tpu.memory_space<semaphore_mem>>)
      } else {
      }
      %mul3A_387 = arith.constant 6 : i32
      %mul3A_388 = arith.muli %scan3A_342, %mul3A_387 : i32
      %add3A_389 = arith.constant 3 : i32
      %add3A_390 = arith.addi %mul3A_388, %add3A_389 : i32
      %add3A_391 = arith.constant 1 : i32
      %add3A_392 = arith.addi %add3A_390, %add3A_391 : i32
      %dma_wait3A_393 = arith.constant 0 : i32
      %dma_wait3A_394 = tpu.memref_slice %arg7[%dma_wait3A_393] : memref<6400xi32, #tpu.memory_space<vmem>> -> memref<128xi32, #tpu.memory_space<vmem>>
      %dma_wait3A_395 = arith.constant 0 : i32
      %dma_wait3A_396 = arith.constant 0 : i32
      %dma_wait3A_397 = tpu.memref_slice %arg4[%dma_wait3A_395, %dma_wait3A_396] : memref<100000x128xf32, #tpu.memory_space<hbm>> -> memref<100000x128xf32, #tpu.memory_space<hbm>>
      tpu.wait_indirect_dma semaphore(%arg26 : memref<!tpu.dma_semaphore, #tpu.memory_space<semaphore_mem>>) src(%dma_wait3A_397 : memref<100000x128xf32, #tpu.memory_space<hbm>>) dst(%arg14 : memref<128x128xf32, #tpu.memory_space<vmem>>)
      %dma_start3A_398 = arith.constant 0 : i32
      %dma_start3A_399 = tpu.memref_slice %arg5[%add3A_392, %mul3A_4, %dma_start3A_398] : memref<50x4096x128xf32, #tpu.memory_space<hbm>> -> memref<1x128x128xf32, #tpu.memory_space<hbm>>
      %dma_start3A_400 = tpu.memref_squeeze %dma_start3A_399 : memref<1x128x128xf32, #tpu.memory_space<hbm>> -> memref<128x128xf32, #tpu.memory_space<hbm>>
      %dma_start3A_401 = arith.constant 0 : i32
      %dma_start3A_402 = tpu.memref_slice %arg5[%add3A_392, %mul3A_4, %dma_start3A_401] : memref<50x4096x128xf32, #tpu.memory_space<hbm>> -> memref<1x128x128xf32, #tpu.memory_space<hbm>>
      %dma_start3A_403 = tpu.memref_squeeze %dma_start3A_402 : memref<1x128x128xf32, #tpu.memory_space<hbm>> -> memref<128x128xf32, #tpu.memory_space<hbm>>
      tpu.enqueue_dma source(%arg14 : memref<128x128xf32, #tpu.memory_space<vmem>>) target(%dma_start3A_403 : memref<128x128xf32, #tpu.memory_space<hbm>>) target_semaphore(%arg32 : memref<!tpu.dma_semaphore, #tpu.memory_space<semaphore_mem>>)
      %dma_wait3A_404 = arith.constant 0 : i32
      %dma_wait3A_405 = arith.constant 0 : i32
      %dma_wait3A_406 = tpu.memref_slice %arg5[%dma_wait3A_404, %mul3A_4, %dma_wait3A_405] : memref<50x4096x128xf32, #tpu.memory_space<hbm>> -> memref<1x128x128xf32, #tpu.memory_space<hbm>>
      %dma_wait3A_407 = tpu.memref_squeeze %dma_wait3A_406 : memref<1x128x128xf32, #tpu.memory_space<hbm>> -> memref<128x128xf32, #tpu.memory_space<hbm>>
      %dma_wait3A_408 = arith.constant 0 : i32
      %dma_wait3A_409 = tpu.memref_slice %arg5[%dma_wait3A_404, %mul3A_4, %dma_wait3A_408] : memref<50x4096x128xf32, #tpu.memory_space<hbm>> -> memref<1x128x128xf32, #tpu.memory_space<hbm>>
      %dma_wait3A_410 = tpu.memref_squeeze %dma_wait3A_409 : memref<1x128x128xf32, #tpu.memory_space<hbm>> -> memref<128x128xf32, #tpu.memory_space<hbm>>
      tpu.wait_dma2 semaphore(%arg31 : memref<!tpu.dma_semaphore, #tpu.memory_space<semaphore_mem>>) src(%arg13 : memref<128x128xf32, #tpu.memory_space<vmem>>) dst(%dma_wait3A_410 : memref<128x128xf32, #tpu.memory_space<hbm>>)
      %add3A_411 = arith.constant 6 : i32
      %add3A_412 = arith.addi %add3A_392, %add3A_411 : i32
      %sub3A_413 = arith.constant 1 : i32
      %sub3A_414 = arith.subi %add3A_412, %sub3A_413 : i32
      %dma_wait3A_415 = arith.constant 0 : i32
      %dma_wait3A_416 = tpu.memref_slice %arg7[%dma_wait3A_415] : memref<6400xi32, #tpu.memory_space<vmem>> -> memref<128xi32, #tpu.memory_space<vmem>>
      %dma_wait3A_417 = arith.constant 0 : i32
      %dma_wait3A_418 = tpu.memref_slice %arg6[%dma_wait3A_417] : memref<6400xi32, #tpu.memory_space<vmem>> -> memref<128xi32, #tpu.memory_space<vmem>>
      %dma_wait3A_419 = arith.constant 0 : i32
      %dma_wait3A_420 = tpu.memref_slice %arg9[%dma_wait3A_419] : memref<100096xi32, #tpu.memory_space<vmem_shared>> -> memref<100096xi32, #tpu.memory_space<vmem_shared>>
      tpu.wait_indirect_dma semaphore(%arg19 : memref<!tpu.dma_semaphore, #tpu.memory_space<semaphore_mem>>) src(%dma_wait3A_420 : memref<100096xi32, #tpu.memory_space<vmem_shared>>) dst(%dma_wait3A_416 : memref<128xi32, #tpu.memory_space<vmem>>)
      %mul3A_421 = arith.constant 128 : i32
      %mul3A_422 = arith.muli %sub3A_414, %mul3A_421 : i32
      %multiple_of3A_423 = tpu.assume_multiple %mul3A_422, 128 : i32
      %dma_start3A_424 = tpu.memref_slice %arg7[%multiple_of3A_423] : memref<6400xi32, #tpu.memory_space<vmem>> -> memref<128xi32, #tpu.memory_space<vmem>>
      %dma_start3A_425 = arith.constant 0 : i32
      %dma_start3A_426 = arith.constant 0 : i32
      %dma_start3A_427 = tpu.memref_slice %arg4[%dma_start3A_425, %dma_start3A_426] : memref<100000x128xf32, #tpu.memory_space<hbm>> -> memref<100000x128xf32, #tpu.memory_space<hbm>>
      tpu.enqueue_indirect_dma source(%dma_start3A_427 : memref<100000x128xf32, #tpu.memory_space<hbm>>) target(%arg13 : memref<128x128xf32, #tpu.memory_space<vmem>>) offsets(%dma_start3A_424 : memref<128xi32, #tpu.memory_space<vmem>>) semaphore(%arg25 : memref<!tpu.dma_semaphore, #tpu.memory_space<semaphore_mem>>)
      %add3A_428 = arith.constant 6 : i32
      %add3A_429 = arith.addi %sub3A_414, %add3A_428 : i32
      %lt3A_430 = arith.constant 50 : i32
      %lt3A_431 = arith.cmpi slt, %add3A_429, %lt3A_430 : i32
      %convert_element_type3A_432 = arith.extui %lt3A_431 : i1 to i32
      %cond3A_433 = arith.constant 0 : i32
      %cond3A_434 = arith.cmpi ne, %convert_element_type3A_432, %cond3A_433 : i32
      scf.if %cond3A_434 {
        %add3A_627 = arith.constant 6 : i32
        %add3A_628 = arith.addi %sub3A_414, %add3A_627 : i32
        %mul3A_629 = arith.constant 128 : i32
        %mul3A_630 = arith.muli %add3A_628, %mul3A_629 : i32
        %multiple_of3A_631 = tpu.assume_multiple %mul3A_630, 128 : i32
        %dma_start3A_632 = tpu.memref_slice %arg7[%multiple_of3A_631] : memref<6400xi32, #tpu.memory_space<vmem>> -> memref<128xi32, #tpu.memory_space<vmem>>
        %dma_start3A_633 = tpu.memref_slice %arg6[%multiple_of3A_631] : memref<6400xi32, #tpu.memory_space<vmem>> -> memref<128xi32, #tpu.memory_space<vmem>>
        %dma_start3A_634 = arith.constant 0 : i32
        %dma_start3A_635 = tpu.memref_slice %arg9[%dma_start3A_634] : memref<100096xi32, #tpu.memory_space<vmem_shared>> -> memref<100096xi32, #tpu.memory_space<vmem_shared>>
        tpu.enqueue_indirect_dma source(%dma_start3A_635 : memref<100096xi32, #tpu.memory_space<vmem_shared>>) target(%dma_start3A_632 : memref<128xi32, #tpu.memory_space<vmem>>) offsets(%dma_start3A_633 : memref<128xi32, #tpu.memory_space<vmem>>) semaphore(%arg19 : memref<!tpu.dma_semaphore, #tpu.memory_space<semaphore_mem>>)
      } else {
      }
      %mul3A_435 = arith.constant 6 : i32
      %mul3A_436 = arith.muli %scan3A_342, %mul3A_435 : i32
      %add3A_437 = arith.constant 3 : i32
      %add3A_438 = arith.addi %mul3A_436, %add3A_437 : i32
      %add3A_439 = arith.constant 2 : i32
      %add3A_440 = arith.addi %add3A_438, %add3A_439 : i32
      %dma_wait3A_441 = arith.constant 0 : i32
      %dma_wait3A_442 = tpu.memref_slice %arg7[%dma_wait3A_441] : memref<6400xi32, #tpu.memory_space<vmem>> -> memref<128xi32, #tpu.memory_space<vmem>>
      %dma_wait3A_443 = arith.constant 0 : i32
      %dma_wait3A_444 = arith.constant 0 : i32
      %dma_wait3A_445 = tpu.memref_slice %arg4[%dma_wait3A_443, %dma_wait3A_444] : memref<100000x128xf32, #tpu.memory_space<hbm>> -> memref<100000x128xf32, #tpu.memory_space<hbm>>
      tpu.wait_indirect_dma semaphore(%arg27 : memref<!tpu.dma_semaphore, #tpu.memory_space<semaphore_mem>>) src(%dma_wait3A_445 : memref<100000x128xf32, #tpu.memory_space<hbm>>) dst(%arg15 : memref<128x128xf32, #tpu.memory_space<vmem>>)
      %dma_start3A_446 = arith.constant 0 : i32
      %dma_start3A_447 = tpu.memref_slice %arg5[%add3A_440, %mul3A_4, %dma_start3A_446] : memref<50x4096x128xf32, #tpu.memory_space<hbm>> -> memref<1x128x128xf32, #tpu.memory_space<hbm>>
      %dma_start3A_448 = tpu.memref_squeeze %dma_start3A_447 : memref<1x128x128xf32, #tpu.memory_space<hbm>> -> memref<128x128xf32, #tpu.memory_space<hbm>>
      %dma_start3A_449 = arith.constant 0 : i32
      %dma_start3A_450 = tpu.memref_slice %arg5[%add3A_440, %mul3A_4, %dma_start3A_449] : memref<50x4096x128xf32, #tpu.memory_space<hbm>> -> memref<1x128x128xf32, #tpu.memory_space<hbm>>
      %dma_start3A_451 = tpu.memref_squeeze %dma_start3A_450 : memref<1x128x128xf32, #tpu.memory_space<hbm>> -> memref<128x128xf32, #tpu.memory_space<hbm>>
      tpu.enqueue_dma source(%arg15 : memref<128x128xf32, #tpu.memory_space<vmem>>) target(%dma_start3A_451 : memref<128x128xf32, #tpu.memory_space<hbm>>) target_semaphore(%arg33 : memref<!tpu.dma_semaphore, #tpu.memory_space<semaphore_mem>>)
      %dma_wait3A_452 = arith.constant 0 : i32
      %dma_wait3A_453 = arith.constant 0 : i32
      %dma_wait3A_454 = tpu.memref_slice %arg5[%dma_wait3A_452, %mul3A_4, %dma_wait3A_453] : memref<50x4096x128xf32, #tpu.memory_space<hbm>> -> memref<1x128x128xf32, #tpu.memory_space<hbm>>
      %dma_wait3A_455 = tpu.memref_squeeze %dma_wait3A_454 : memref<1x128x128xf32, #tpu.memory_space<hbm>> -> memref<128x128xf32, #tpu.memory_space<hbm>>
      %dma_wait3A_456 = arith.constant 0 : i32
      %dma_wait3A_457 = tpu.memref_slice %arg5[%dma_wait3A_452, %mul3A_4, %dma_wait3A_456] : memref<50x4096x128xf32, #tpu.memory_space<hbm>> -> memref<1x128x128xf32, #tpu.memory_space<hbm>>
      %dma_wait3A_458 = tpu.memref_squeeze %dma_wait3A_457 : memref<1x128x128xf32, #tpu.memory_space<hbm>> -> memref<128x128xf32, #tpu.memory_space<hbm>>
      tpu.wait_dma2 semaphore(%arg32 : memref<!tpu.dma_semaphore, #tpu.memory_space<semaphore_mem>>) src(%arg14 : memref<128x128xf32, #tpu.memory_space<vmem>>) dst(%dma_wait3A_458 : memref<128x128xf32, #tpu.memory_space<hbm>>)
      %add3A_459 = arith.constant 6 : i32
      %add3A_460 = arith.addi %add3A_440, %add3A_459 : i32
      %sub3A_461 = arith.constant 1 : i32
      %sub3A_462 = arith.subi %add3A_460, %sub3A_461 : i32
      %dma_wait3A_463 = arith.constant 0 : i32
      %dma_wait3A_464 = tpu.memref_slice %arg7[%dma_wait3A_463] : memref<6400xi32, #tpu.memory_space<vmem>> -> memref<128xi32, #tpu.memory_space<vmem>>
      %dma_wait3A_465 = arith.constant 0 : i32
      %dma_wait3A_466 = tpu.memref_slice %arg6[%dma_wait3A_465] : memref<6400xi32, #tpu.memory_space<vmem>> -> memref<128xi32, #tpu.memory_space<vmem>>
      %dma_wait3A_467 = arith.constant 0 : i32
      %dma_wait3A_468 = tpu.memref_slice %arg9[%dma_wait3A_467] : memref<100096xi32, #tpu.memory_space<vmem_shared>> -> memref<100096xi32, #tpu.memory_space<vmem_shared>>
      tpu.wait_indirect_dma semaphore(%arg20 : memref<!tpu.dma_semaphore, #tpu.memory_space<semaphore_mem>>) src(%dma_wait3A_468 : memref<100096xi32, #tpu.memory_space<vmem_shared>>) dst(%dma_wait3A_464 : memref<128xi32, #tpu.memory_space<vmem>>)
      %mul3A_469 = arith.constant 128 : i32
      %mul3A_470 = arith.muli %sub3A_462, %mul3A_469 : i32
      %multiple_of3A_471 = tpu.assume_multiple %mul3A_470, 128 : i32
      %dma_start3A_472 = tpu.memref_slice %arg7[%multiple_of3A_471] : memref<6400xi32, #tpu.memory_space<vmem>> -> memref<128xi32, #tpu.memory_space<vmem>>
      %dma_start3A_473 = arith.constant 0 : i32
      %dma_start3A_474 = arith.constant 0 : i32
      %dma_start3A_475 = tpu.memref_slice %arg4[%dma_start3A_473, %dma_start3A_474] : memref<100000x128xf32, #tpu.memory_space<hbm>> -> memref<100000x128xf32, #tpu.memory_space<hbm>>
      tpu.enqueue_indirect_dma source(%dma_start3A_475 : memref<100000x128xf32, #tpu.memory_space<hbm>>) target(%arg14 : memref<128x128xf32, #tpu.memory_space<vmem>>) offsets(%dma_start3A_472 : memref<128xi32, #tpu.memory_space<vmem>>) semaphore(%arg26 : memref<!tpu.dma_semaphore, #tpu.memory_space<semaphore_mem>>)
      %add3A_476 = arith.constant 6 : i32
      %add3A_477 = arith.addi %sub3A_462, %add3A_476 : i32
      %lt3A_478 = arith.constant 50 : i32
      %lt3A_479 = arith.cmpi slt, %add3A_477, %lt3A_478 : i32
      %convert_element_type3A_480 = arith.extui %lt3A_479 : i1 to i32
      %cond3A_481 = arith.constant 0 : i32
      %cond3A_482 = arith.cmpi ne, %convert_element_type3A_480, %cond3A_481 : i32
      scf.if %cond3A_482 {
        %add3A_627 = arith.constant 6 : i32
        %add3A_628 = arith.addi %sub3A_462, %add3A_627 : i32
        %mul3A_629 = arith.constant 128 : i32
        %mul3A_630 = arith.muli %add3A_628, %mul3A_629 : i32
        %multiple_of3A_631 = tpu.assume_multiple %mul3A_630, 128 : i32
        %dma_start3A_632 = tpu.memref_slice %arg7[%multiple_of3A_631] : memref<6400xi32, #tpu.memory_space<vmem>> -> memref<128xi32, #tpu.memory_space<vmem>>
        %dma_start3A_633 = tpu.memref_slice %arg6[%multiple_of3A_631] : memref<6400xi32, #tpu.memory_space<vmem>> -> memref<128xi32, #tpu.memory_space<vmem>>
        %dma_start3A_634 = arith.constant 0 : i32
        %dma_start3A_635 = tpu.memref_slice %arg9[%dma_start3A_634] : memref<100096xi32, #tpu.memory_space<vmem_shared>> -> memref<100096xi32, #tpu.memory_space<vmem_shared>>
        tpu.enqueue_indirect_dma source(%dma_start3A_635 : memref<100096xi32, #tpu.memory_space<vmem_shared>>) target(%dma_start3A_632 : memref<128xi32, #tpu.memory_space<vmem>>) offsets(%dma_start3A_633 : memref<128xi32, #tpu.memory_space<vmem>>) semaphore(%arg20 : memref<!tpu.dma_semaphore, #tpu.memory_space<semaphore_mem>>)
      } else {
      }
      %mul3A_483 = arith.constant 6 : i32
      %mul3A_484 = arith.muli %scan3A_342, %mul3A_483 : i32
      %add3A_485 = arith.constant 3 : i32
      %add3A_486 = arith.addi %mul3A_484, %add3A_485 : i32
      %add3A_487 = arith.constant 3 : i32
      %add3A_488 = arith.addi %add3A_486, %add3A_487 : i32
      %dma_wait3A_489 = arith.constant 0 : i32
      %dma_wait3A_490 = tpu.memref_slice %arg7[%dma_wait3A_489] : memref<6400xi32, #tpu.memory_space<vmem>> -> memref<128xi32, #tpu.memory_space<vmem>>
      %dma_wait3A_491 = arith.constant 0 : i32
      %dma_wait3A_492 = arith.constant 0 : i32
      %dma_wait3A_493 = tpu.memref_slice %arg4[%dma_wait3A_491, %dma_wait3A_492] : memref<100000x128xf32, #tpu.memory_space<hbm>> -> memref<100000x128xf32, #tpu.memory_space<hbm>>
      tpu.wait_indirect_dma semaphore(%arg22 : memref<!tpu.dma_semaphore, #tpu.memory_space<semaphore_mem>>) src(%dma_wait3A_493 : memref<100000x128xf32, #tpu.memory_space<hbm>>) dst(%arg10 : memref<128x128xf32, #tpu.memory_space<vmem>>)
      %dma_start3A_494 = arith.constant 0 : i32
      %dma_start3A_495 = tpu.memref_slice %arg5[%add3A_488, %mul3A_4, %dma_start3A_494] : memref<50x4096x128xf32, #tpu.memory_space<hbm>> -> memref<1x128x128xf32, #tpu.memory_space<hbm>>
      %dma_start3A_496 = tpu.memref_squeeze %dma_start3A_495 : memref<1x128x128xf32, #tpu.memory_space<hbm>> -> memref<128x128xf32, #tpu.memory_space<hbm>>
      %dma_start3A_497 = arith.constant 0 : i32
      %dma_start3A_498 = tpu.memref_slice %arg5[%add3A_488, %mul3A_4, %dma_start3A_497] : memref<50x4096x128xf32, #tpu.memory_space<hbm>> -> memref<1x128x128xf32, #tpu.memory_space<hbm>>
      %dma_start3A_499 = tpu.memref_squeeze %dma_start3A_498 : memref<1x128x128xf32, #tpu.memory_space<hbm>> -> memref<128x128xf32, #tpu.memory_space<hbm>>
      tpu.enqueue_dma source(%arg10 : memref<128x128xf32, #tpu.memory_space<vmem>>) target(%dma_start3A_499 : memref<128x128xf32, #tpu.memory_space<hbm>>) target_semaphore(%arg28 : memref<!tpu.dma_semaphore, #tpu.memory_space<semaphore_mem>>)
      %dma_wait3A_500 = arith.constant 0 : i32
      %dma_wait3A_501 = arith.constant 0 : i32
      %dma_wait3A_502 = tpu.memref_slice %arg5[%dma_wait3A_500, %mul3A_4, %dma_wait3A_501] : memref<50x4096x128xf32, #tpu.memory_space<hbm>> -> memref<1x128x128xf32, #tpu.memory_space<hbm>>
      %dma_wait3A_503 = tpu.memref_squeeze %dma_wait3A_502 : memref<1x128x128xf32, #tpu.memory_space<hbm>> -> memref<128x128xf32, #tpu.memory_space<hbm>>
      %dma_wait3A_504 = arith.constant 0 : i32
      %dma_wait3A_505 = tpu.memref_slice %arg5[%dma_wait3A_500, %mul3A_4, %dma_wait3A_504] : memref<50x4096x128xf32, #tpu.memory_space<hbm>> -> memref<1x128x128xf32, #tpu.memory_space<hbm>>
      %dma_wait3A_506 = tpu.memref_squeeze %dma_wait3A_505 : memref<1x128x128xf32, #tpu.memory_space<hbm>> -> memref<128x128xf32, #tpu.memory_space<hbm>>
      tpu.wait_dma2 semaphore(%arg33 : memref<!tpu.dma_semaphore, #tpu.memory_space<semaphore_mem>>) src(%arg15 : memref<128x128xf32, #tpu.memory_space<vmem>>) dst(%dma_wait3A_506 : memref<128x128xf32, #tpu.memory_space<hbm>>)
      %add3A_507 = arith.constant 6 : i32
      %add3A_508 = arith.addi %add3A_488, %add3A_507 : i32
      %sub3A_509 = arith.constant 1 : i32
      %sub3A_510 = arith.subi %add3A_508, %sub3A_509 : i32
      %dma_wait3A_511 = arith.constant 0 : i32
      %dma_wait3A_512 = tpu.memref_slice %arg7[%dma_wait3A_511] : memref<6400xi32, #tpu.memory_space<vmem>> -> memref<128xi32, #tpu.memory_space<vmem>>
      %dma_wait3A_513 = arith.constant 0 : i32
      %dma_wait3A_514 = tpu.memref_slice %arg6[%dma_wait3A_513] : memref<6400xi32, #tpu.memory_space<vmem>> -> memref<128xi32, #tpu.memory_space<vmem>>
      %dma_wait3A_515 = arith.constant 0 : i32
      %dma_wait3A_516 = tpu.memref_slice %arg9[%dma_wait3A_515] : memref<100096xi32, #tpu.memory_space<vmem_shared>> -> memref<100096xi32, #tpu.memory_space<vmem_shared>>
      tpu.wait_indirect_dma semaphore(%arg21 : memref<!tpu.dma_semaphore, #tpu.memory_space<semaphore_mem>>) src(%dma_wait3A_516 : memref<100096xi32, #tpu.memory_space<vmem_shared>>) dst(%dma_wait3A_512 : memref<128xi32, #tpu.memory_space<vmem>>)
      %mul3A_517 = arith.constant 128 : i32
      %mul3A_518 = arith.muli %sub3A_510, %mul3A_517 : i32
      %multiple_of3A_519 = tpu.assume_multiple %mul3A_518, 128 : i32
      %dma_start3A_520 = tpu.memref_slice %arg7[%multiple_of3A_519] : memref<6400xi32, #tpu.memory_space<vmem>> -> memref<128xi32, #tpu.memory_space<vmem>>
      %dma_start3A_521 = arith.constant 0 : i32
      %dma_start3A_522 = arith.constant 0 : i32
      %dma_start3A_523 = tpu.memref_slice %arg4[%dma_start3A_521, %dma_start3A_522] : memref<100000x128xf32, #tpu.memory_space<hbm>> -> memref<100000x128xf32, #tpu.memory_space<hbm>>
      tpu.enqueue_indirect_dma source(%dma_start3A_523 : memref<100000x128xf32, #tpu.memory_space<hbm>>) target(%arg15 : memref<128x128xf32, #tpu.memory_space<vmem>>) offsets(%dma_start3A_520 : memref<128xi32, #tpu.memory_space<vmem>>) semaphore(%arg27 : memref<!tpu.dma_semaphore, #tpu.memory_space<semaphore_mem>>)
      %add3A_524 = arith.constant 6 : i32
      %add3A_525 = arith.addi %sub3A_510, %add3A_524 : i32
      %lt3A_526 = arith.constant 50 : i32
      %lt3A_527 = arith.cmpi slt, %add3A_525, %lt3A_526 : i32
      %convert_element_type3A_528 = arith.extui %lt3A_527 : i1 to i32
      %cond3A_529 = arith.constant 0 : i32
      %cond3A_530 = arith.cmpi ne, %convert_element_type3A_528, %cond3A_529 : i32
      scf.if %cond3A_530 {
        %add3A_627 = arith.constant 6 : i32
        %add3A_628 = arith.addi %sub3A_510, %add3A_627 : i32
        %mul3A_629 = arith.constant 128 : i32
        %mul3A_630 = arith.muli %add3A_628, %mul3A_629 : i32
        %multiple_of3A_631 = tpu.assume_multiple %mul3A_630, 128 : i32
        %dma_start3A_632 = tpu.memref_slice %arg7[%multiple_of3A_631] : memref<6400xi32, #tpu.memory_space<vmem>> -> memref<128xi32, #tpu.memory_space<vmem>>
        %dma_start3A_633 = tpu.memref_slice %arg6[%multiple_of3A_631] : memref<6400xi32, #tpu.memory_space<vmem>> -> memref<128xi32, #tpu.memory_space<vmem>>
        %dma_start3A_634 = arith.constant 0 : i32
        %dma_start3A_635 = tpu.memref_slice %arg9[%dma_start3A_634] : memref<100096xi32, #tpu.memory_space<vmem_shared>> -> memref<100096xi32, #tpu.memory_space<vmem_shared>>
        tpu.enqueue_indirect_dma source(%dma_start3A_635 : memref<100096xi32, #tpu.memory_space<vmem_shared>>) target(%dma_start3A_632 : memref<128xi32, #tpu.memory_space<vmem>>) offsets(%dma_start3A_633 : memref<128xi32, #tpu.memory_space<vmem>>) semaphore(%arg21 : memref<!tpu.dma_semaphore, #tpu.memory_space<semaphore_mem>>)
      } else {
      }
      %mul3A_531 = arith.constant 6 : i32
      %mul3A_532 = arith.muli %scan3A_342, %mul3A_531 : i32
      %add3A_533 = arith.constant 3 : i32
      %add3A_534 = arith.addi %mul3A_532, %add3A_533 : i32
      %add3A_535 = arith.constant 4 : i32
      %add3A_536 = arith.addi %add3A_534, %add3A_535 : i32
      %dma_wait3A_537 = arith.constant 0 : i32
      %dma_wait3A_538 = tpu.memref_slice %arg7[%dma_wait3A_537] : memref<6400xi32, #tpu.memory_space<vmem>> -> memref<128xi32, #tpu.memory_space<vmem>>
      %dma_wait3A_539 = arith.constant 0 : i32
      %dma_wait3A_540 = arith.constant 0 : i32
      %dma_wait3A_541 = tpu.memref_slice %arg4[%dma_wait3A_539, %dma_wait3A_540] : memref<100000x128xf32, #tpu.memory_space<hbm>> -> memref<100000x128xf32, #tpu.memory_space<hbm>>
      tpu.wait_indirect_dma semaphore(%arg23 : memref<!tpu.dma_semaphore, #tpu.memory_space<semaphore_mem>>) src(%dma_wait3A_541 : memref<100000x128xf32, #tpu.memory_space<hbm>>) dst(%arg11 : memref<128x128xf32, #tpu.memory_space<vmem>>)
      %dma_start3A_542 = arith.constant 0 : i32
      %dma_start3A_543 = tpu.memref_slice %arg5[%add3A_536, %mul3A_4, %dma_start3A_542] : memref<50x4096x128xf32, #tpu.memory_space<hbm>> -> memref<1x128x128xf32, #tpu.memory_space<hbm>>
      %dma_start3A_544 = tpu.memref_squeeze %dma_start3A_543 : memref<1x128x128xf32, #tpu.memory_space<hbm>> -> memref<128x128xf32, #tpu.memory_space<hbm>>
      %dma_start3A_545 = arith.constant 0 : i32
      %dma_start3A_546 = tpu.memref_slice %arg5[%add3A_536, %mul3A_4, %dma_start3A_545] : memref<50x4096x128xf32, #tpu.memory_space<hbm>> -> memref<1x128x128xf32, #tpu.memory_space<hbm>>
      %dma_start3A_547 = tpu.memref_squeeze %dma_start3A_546 : memref<1x128x128xf32, #tpu.memory_space<hbm>> -> memref<128x128xf32, #tpu.memory_space<hbm>>
      tpu.enqueue_dma source(%arg11 : memref<128x128xf32, #tpu.memory_space<vmem>>) target(%dma_start3A_547 : memref<128x128xf32, #tpu.memory_space<hbm>>) target_semaphore(%arg29 : memref<!tpu.dma_semaphore, #tpu.memory_space<semaphore_mem>>)
      %dma_wait3A_548 = arith.constant 0 : i32
      %dma_wait3A_549 = arith.constant 0 : i32
      %dma_wait3A_550 = tpu.memref_slice %arg5[%dma_wait3A_548, %mul3A_4, %dma_wait3A_549] : memref<50x4096x128xf32, #tpu.memory_space<hbm>> -> memref<1x128x128xf32, #tpu.memory_space<hbm>>
      %dma_wait3A_551 = tpu.memref_squeeze %dma_wait3A_550 : memref<1x128x128xf32, #tpu.memory_space<hbm>> -> memref<128x128xf32, #tpu.memory_space<hbm>>
      %dma_wait3A_552 = arith.constant 0 : i32
      %dma_wait3A_553 = tpu.memref_slice %arg5[%dma_wait3A_548, %mul3A_4, %dma_wait3A_552] : memref<50x4096x128xf32, #tpu.memory_space<hbm>> -> memref<1x128x128xf32, #tpu.memory_space<hbm>>
      %dma_wait3A_554 = tpu.memref_squeeze %dma_wait3A_553 : memref<1x128x128xf32, #tpu.memory_space<hbm>> -> memref<128x128xf32, #tpu.memory_space<hbm>>
      tpu.wait_dma2 semaphore(%arg28 : memref<!tpu.dma_semaphore, #tpu.memory_space<semaphore_mem>>) src(%arg10 : memref<128x128xf32, #tpu.memory_space<vmem>>) dst(%dma_wait3A_554 : memref<128x128xf32, #tpu.memory_space<hbm>>)
      %add3A_555 = arith.constant 6 : i32
      %add3A_556 = arith.addi %add3A_536, %add3A_555 : i32
      %sub3A_557 = arith.constant 1 : i32
      %sub3A_558 = arith.subi %add3A_556, %sub3A_557 : i32
      %dma_wait3A_559 = arith.constant 0 : i32
      %dma_wait3A_560 = tpu.memref_slice %arg7[%dma_wait3A_559] : memref<6400xi32, #tpu.memory_space<vmem>> -> memref<128xi32, #tpu.memory_space<vmem>>
      %dma_wait3A_561 = arith.constant 0 : i32
      %dma_wait3A_562 = tpu.memref_slice %arg6[%dma_wait3A_561] : memref<6400xi32, #tpu.memory_space<vmem>> -> memref<128xi32, #tpu.memory_space<vmem>>
      %dma_wait3A_563 = arith.constant 0 : i32
      %dma_wait3A_564 = tpu.memref_slice %arg9[%dma_wait3A_563] : memref<100096xi32, #tpu.memory_space<vmem_shared>> -> memref<100096xi32, #tpu.memory_space<vmem_shared>>
      tpu.wait_indirect_dma semaphore(%arg16 : memref<!tpu.dma_semaphore, #tpu.memory_space<semaphore_mem>>) src(%dma_wait3A_564 : memref<100096xi32, #tpu.memory_space<vmem_shared>>) dst(%dma_wait3A_560 : memref<128xi32, #tpu.memory_space<vmem>>)
      %mul3A_565 = arith.constant 128 : i32
      %mul3A_566 = arith.muli %sub3A_558, %mul3A_565 : i32
      %multiple_of3A_567 = tpu.assume_multiple %mul3A_566, 128 : i32
      %dma_start3A_568 = tpu.memref_slice %arg7[%multiple_of3A_567] : memref<6400xi32, #tpu.memory_space<vmem>> -> memref<128xi32, #tpu.memory_space<vmem>>
      %dma_start3A_569 = arith.constant 0 : i32
      %dma_start3A_570 = arith.constant 0 : i32
      %dma_start3A_571 = tpu.memref_slice %arg4[%dma_start3A_569, %dma_start3A_570] : memref<100000x128xf32, #tpu.memory_space<hbm>> -> memref<100000x128xf32, #tpu.memory_space<hbm>>
      tpu.enqueue_indirect_dma source(%dma_start3A_571 : memref<100000x128xf32, #tpu.memory_space<hbm>>) target(%arg10 : memref<128x128xf32, #tpu.memory_space<vmem>>) offsets(%dma_start3A_568 : memref<128xi32, #tpu.memory_space<vmem>>) semaphore(%arg22 : memref<!tpu.dma_semaphore, #tpu.memory_space<semaphore_mem>>)
      %add3A_572 = arith.constant 6 : i32
      %add3A_573 = arith.addi %sub3A_558, %add3A_572 : i32
      %lt3A_574 = arith.constant 50 : i32
      %lt3A_575 = arith.cmpi slt, %add3A_573, %lt3A_574 : i32
      %convert_element_type3A_576 = arith.extui %lt3A_575 : i1 to i32
      %cond3A_577 = arith.constant 0 : i32
      %cond3A_578 = arith.cmpi ne, %convert_element_type3A_576, %cond3A_577 : i32
      scf.if %cond3A_578 {
        %add3A_627 = arith.constant 6 : i32
        %add3A_628 = arith.addi %sub3A_558, %add3A_627 : i32
        %mul3A_629 = arith.constant 128 : i32
        %mul3A_630 = arith.muli %add3A_628, %mul3A_629 : i32
        %multiple_of3A_631 = tpu.assume_multiple %mul3A_630, 128 : i32
        %dma_start3A_632 = tpu.memref_slice %arg7[%multiple_of3A_631] : memref<6400xi32, #tpu.memory_space<vmem>> -> memref<128xi32, #tpu.memory_space<vmem>>
        %dma_start3A_633 = tpu.memref_slice %arg6[%multiple_of3A_631] : memref<6400xi32, #tpu.memory_space<vmem>> -> memref<128xi32, #tpu.memory_space<vmem>>
        %dma_start3A_634 = arith.constant 0 : i32
        %dma_start3A_635 = tpu.memref_slice %arg9[%dma_start3A_634] : memref<100096xi32, #tpu.memory_space<vmem_shared>> -> memref<100096xi32, #tpu.memory_space<vmem_shared>>
        tpu.enqueue_indirect_dma source(%dma_start3A_635 : memref<100096xi32, #tpu.memory_space<vmem_shared>>) target(%dma_start3A_632 : memref<128xi32, #tpu.memory_space<vmem>>) offsets(%dma_start3A_633 : memref<128xi32, #tpu.memory_space<vmem>>) semaphore(%arg16 : memref<!tpu.dma_semaphore, #tpu.memory_space<semaphore_mem>>)
      } else {
      }
      %mul3A_579 = arith.constant 6 : i32
      %mul3A_580 = arith.muli %scan3A_342, %mul3A_579 : i32
      %add3A_581 = arith.constant 3 : i32
      %add3A_582 = arith.addi %mul3A_580, %add3A_581 : i32
      %add3A_583 = arith.constant 5 : i32
      %add3A_584 = arith.addi %add3A_582, %add3A_583 : i32
      %dma_wait3A_585 = arith.constant 0 : i32
      %dma_wait3A_586 = tpu.memref_slice %arg7[%dma_wait3A_585] : memref<6400xi32, #tpu.memory_space<vmem>> -> memref<128xi32, #tpu.memory_space<vmem>>
      %dma_wait3A_587 = arith.constant 0 : i32
      %dma_wait3A_588 = arith.constant 0 : i32
      %dma_wait3A_589 = tpu.memref_slice %arg4[%dma_wait3A_587, %dma_wait3A_588] : memref<100000x128xf32, #tpu.memory_space<hbm>> -> memref<100000x128xf32, #tpu.memory_space<hbm>>
      tpu.wait_indirect_dma semaphore(%arg24 : memref<!tpu.dma_semaphore, #tpu.memory_space<semaphore_mem>>) src(%dma_wait3A_589 : memref<100000x128xf32, #tpu.memory_space<hbm>>) dst(%arg12 : memref<128x128xf32, #tpu.memory_space<vmem>>)
      %dma_start3A_590 = arith.constant 0 : i32
      %dma_start3A_591 = tpu.memref_slice %arg5[%add3A_584, %mul3A_4, %dma_start3A_590] : memref<50x4096x128xf32, #tpu.memory_space<hbm>> -> memref<1x128x128xf32, #tpu.memory_space<hbm>>
      %dma_start3A_592 = tpu.memref_squeeze %dma_start3A_591 : memref<1x128x128xf32, #tpu.memory_space<hbm>> -> memref<128x128xf32, #tpu.memory_space<hbm>>
      %dma_start3A_593 = arith.constant 0 : i32
      %dma_start3A_594 = tpu.memref_slice %arg5[%add3A_584, %mul3A_4, %dma_start3A_593] : memref<50x4096x128xf32, #tpu.memory_space<hbm>> -> memref<1x128x128xf32, #tpu.memory_space<hbm>>
      %dma_start3A_595 = tpu.memref_squeeze %dma_start3A_594 : memref<1x128x128xf32, #tpu.memory_space<hbm>> -> memref<128x128xf32, #tpu.memory_space<hbm>>
      tpu.enqueue_dma source(%arg12 : memref<128x128xf32, #tpu.memory_space<vmem>>) target(%dma_start3A_595 : memref<128x128xf32, #tpu.memory_space<hbm>>) target_semaphore(%arg30 : memref<!tpu.dma_semaphore, #tpu.memory_space<semaphore_mem>>)
      %dma_wait3A_596 = arith.constant 0 : i32
      %dma_wait3A_597 = arith.constant 0 : i32
      %dma_wait3A_598 = tpu.memref_slice %arg5[%dma_wait3A_596, %mul3A_4, %dma_wait3A_597] : memref<50x4096x128xf32, #tpu.memory_space<hbm>> -> memref<1x128x128xf32, #tpu.memory_space<hbm>>
      %dma_wait3A_599 = tpu.memref_squeeze %dma_wait3A_598 : memref<1x128x128xf32, #tpu.memory_space<hbm>> -> memref<128x128xf32, #tpu.memory_space<hbm>>
      %dma_wait3A_600 = arith.constant 0 : i32
      %dma_wait3A_601 = tpu.memref_slice %arg5[%dma_wait3A_596, %mul3A_4, %dma_wait3A_600] : memref<50x4096x128xf32, #tpu.memory_space<hbm>> -> memref<1x128x128xf32, #tpu.memory_space<hbm>>
      %dma_wait3A_602 = tpu.memref_squeeze %dma_wait3A_601 : memref<1x128x128xf32, #tpu.memory_space<hbm>> -> memref<128x128xf32, #tpu.memory_space<hbm>>
      tpu.wait_dma2 semaphore(%arg29 : memref<!tpu.dma_semaphore, #tpu.memory_space<semaphore_mem>>) src(%arg11 : memref<128x128xf32, #tpu.memory_space<vmem>>) dst(%dma_wait3A_602 : memref<128x128xf32, #tpu.memory_space<hbm>>)
      %add3A_603 = arith.constant 6 : i32
      %add3A_604 = arith.addi %add3A_584, %add3A_603 : i32
      %sub3A_605 = arith.constant 1 : i32
      %sub3A_606 = arith.subi %add3A_604, %sub3A_605 : i32
      %dma_wait3A_607 = arith.constant 0 : i32
      %dma_wait3A_608 = tpu.memref_slice %arg7[%dma_wait3A_607] : memref<6400xi32, #tpu.memory_space<vmem>> -> memref<128xi32, #tpu.memory_space<vmem>>
      %dma_wait3A_609 = arith.constant 0 : i32
      %dma_wait3A_610 = tpu.memref_slice %arg6[%dma_wait3A_609] : memref<6400xi32, #tpu.memory_space<vmem>> -> memref<128xi32, #tpu.memory_space<vmem>>
      %dma_wait3A_611 = arith.constant 0 : i32
      %dma_wait3A_612 = tpu.memref_slice %arg9[%dma_wait3A_611] : memref<100096xi32, #tpu.memory_space<vmem_shared>> -> memref<100096xi32, #tpu.memory_space<vmem_shared>>
      tpu.wait_indirect_dma semaphore(%arg17 : memref<!tpu.dma_semaphore, #tpu.memory_space<semaphore_mem>>) src(%dma_wait3A_612 : memref<100096xi32, #tpu.memory_space<vmem_shared>>) dst(%dma_wait3A_608 : memref<128xi32, #tpu.memory_space<vmem>>)
      %mul3A_613 = arith.constant 128 : i32
      %mul3A_614 = arith.muli %sub3A_606, %mul3A_613 : i32
      %multiple_of3A_615 = tpu.assume_multiple %mul3A_614, 128 : i32
      %dma_start3A_616 = tpu.memref_slice %arg7[%multiple_of3A_615] : memref<6400xi32, #tpu.memory_space<vmem>> -> memref<128xi32, #tpu.memory_space<vmem>>
      %dma_start3A_617 = arith.constant 0 : i32
      %dma_start3A_618 = arith.constant 0 : i32
      %dma_start3A_619 = tpu.memref_slice %arg4[%dma_start3A_617, %dma_start3A_618] : memref<100000x128xf32, #tpu.memory_space<hbm>> -> memref<100000x128xf32, #tpu.memory_space<hbm>>
      tpu.enqueue_indirect_dma source(%dma_start3A_619 : memref<100000x128xf32, #tpu.memory_space<hbm>>) target(%arg11 : memref<128x128xf32, #tpu.memory_space<vmem>>) offsets(%dma_start3A_616 : memref<128xi32, #tpu.memory_space<vmem>>) semaphore(%arg23 : memref<!tpu.dma_semaphore, #tpu.memory_space<semaphore_mem>>)
      %add3A_620 = arith.constant 6 : i32
      %add3A_621 = arith.addi %sub3A_606, %add3A_620 : i32
      %lt3A_622 = arith.constant 50 : i32
      %lt3A_623 = arith.cmpi slt, %add3A_621, %lt3A_622 : i32
      %convert_element_type3A_624 = arith.extui %lt3A_623 : i1 to i32
      %cond3A_625 = arith.constant 0 : i32
      %cond3A_626 = arith.cmpi ne, %convert_element_type3A_624, %cond3A_625 : i32
      scf.if %cond3A_626 {
        %add3A_627 = arith.constant 6 : i32
        %add3A_628 = arith.addi %sub3A_606, %add3A_627 : i32
        %mul3A_629 = arith.constant 128 : i32
        %mul3A_630 = arith.muli %add3A_628, %mul3A_629 : i32
        %multiple_of3A_631 = tpu.assume_multiple %mul3A_630, 128 : i32
        %dma_start3A_632 = tpu.memref_slice %arg7[%multiple_of3A_631] : memref<6400xi32, #tpu.memory_space<vmem>> -> memref<128xi32, #tpu.memory_space<vmem>>
        %dma_start3A_633 = tpu.memref_slice %arg6[%multiple_of3A_631] : memref<6400xi32, #tpu.memory_space<vmem>> -> memref<128xi32, #tpu.memory_space<vmem>>
        %dma_start3A_634 = arith.constant 0 : i32
        %dma_start3A_635 = tpu.memref_slice %arg9[%dma_start3A_634] : memref<100096xi32, #tpu.memory_space<vmem_shared>> -> memref<100096xi32, #tpu.memory_space<vmem_shared>>
        tpu.enqueue_indirect_dma source(%dma_start3A_635 : memref<100096xi32, #tpu.memory_space<vmem_shared>>) target(%dma_start3A_632 : memref<128xi32, #tpu.memory_space<vmem>>) offsets(%dma_start3A_633 : memref<128xi32, #tpu.memory_space<vmem>>) semaphore(%arg17 : memref<!tpu.dma_semaphore, #tpu.memory_space<semaphore_mem>>)
      } else {
      }
    }
    %scan3A_239 = arith.constant 7 : i32
    %dma_wait3A_240 = arith.constant 0 : i32
    %dma_wait3A_241 = tpu.memref_slice %arg7[%dma_wait3A_240] : memref<6400xi32, #tpu.memory_space<vmem>> -> memref<128xi32, #tpu.memory_space<vmem>>
    %dma_wait3A_242 = arith.constant 0 : i32
    %dma_wait3A_243 = arith.constant 0 : i32
    %dma_wait3A_244 = tpu.memref_slice %arg4[%dma_wait3A_242, %dma_wait3A_243] : memref<100000x128xf32, #tpu.memory_space<hbm>> -> memref<100000x128xf32, #tpu.memory_space<hbm>>
    tpu.wait_indirect_dma semaphore(%arg25 : memref<!tpu.dma_semaphore, #tpu.memory_space<semaphore_mem>>) src(%dma_wait3A_244 : memref<100000x128xf32, #tpu.memory_space<hbm>>) dst(%arg13 : memref<128x128xf32, #tpu.memory_space<vmem>>)
    %dma_start3A_245 = arith.constant 45 : i32
    %dma_start3A_246 = arith.constant 0 : i32
    %dma_start3A_247 = tpu.memref_slice %arg5[%dma_start3A_245, %mul3A_4, %dma_start3A_246] : memref<50x4096x128xf32, #tpu.memory_space<hbm>> -> memref<1x128x128xf32, #tpu.memory_space<hbm>>
    %dma_start3A_248 = tpu.memref_squeeze %dma_start3A_247 : memref<1x128x128xf32, #tpu.memory_space<hbm>> -> memref<128x128xf32, #tpu.memory_space<hbm>>
    %dma_start3A_249 = arith.constant 0 : i32
    %dma_start3A_250 = tpu.memref_slice %arg5[%dma_start3A_245, %mul3A_4, %dma_start3A_249] : memref<50x4096x128xf32, #tpu.memory_space<hbm>> -> memref<1x128x128xf32, #tpu.memory_space<hbm>>
    %dma_start3A_251 = tpu.memref_squeeze %dma_start3A_250 : memref<1x128x128xf32, #tpu.memory_space<hbm>> -> memref<128x128xf32, #tpu.memory_space<hbm>>
    tpu.enqueue_dma source(%arg13 : memref<128x128xf32, #tpu.memory_space<vmem>>) target(%dma_start3A_251 : memref<128x128xf32, #tpu.memory_space<hbm>>) target_semaphore(%arg31 : memref<!tpu.dma_semaphore, #tpu.memory_space<semaphore_mem>>)
    %dma_wait3A_252 = arith.constant 0 : i32
    %dma_wait3A_253 = arith.constant 0 : i32
    %dma_wait3A_254 = tpu.memref_slice %arg5[%dma_wait3A_252, %mul3A_4, %dma_wait3A_253] : memref<50x4096x128xf32, #tpu.memory_space<hbm>> -> memref<1x128x128xf32, #tpu.memory_space<hbm>>
    %dma_wait3A_255 = tpu.memref_squeeze %dma_wait3A_254 : memref<1x128x128xf32, #tpu.memory_space<hbm>> -> memref<128x128xf32, #tpu.memory_space<hbm>>
    %dma_wait3A_256 = arith.constant 0 : i32
    %dma_wait3A_257 = tpu.memref_slice %arg5[%dma_wait3A_252, %mul3A_4, %dma_wait3A_256] : memref<50x4096x128xf32, #tpu.memory_space<hbm>> -> memref<1x128x128xf32, #tpu.memory_space<hbm>>
    %dma_wait3A_258 = tpu.memref_squeeze %dma_wait3A_257 : memref<1x128x128xf32, #tpu.memory_space<hbm>> -> memref<128x128xf32, #tpu.memory_space<hbm>>
    tpu.wait_dma2 semaphore(%arg30 : memref<!tpu.dma_semaphore, #tpu.memory_space<semaphore_mem>>) src(%arg12 : memref<128x128xf32, #tpu.memory_space<vmem>>) dst(%dma_wait3A_258 : memref<128x128xf32, #tpu.memory_space<hbm>>)
    %dma_wait3A_259 = arith.constant 0 : i32
    %dma_wait3A_260 = tpu.memref_slice %arg7[%dma_wait3A_259] : memref<6400xi32, #tpu.memory_space<vmem>> -> memref<128xi32, #tpu.memory_space<vmem>>
    %dma_wait3A_261 = arith.constant 0 : i32
    %dma_wait3A_262 = arith.constant 0 : i32
    %dma_wait3A_263 = tpu.memref_slice %arg4[%dma_wait3A_261, %dma_wait3A_262] : memref<100000x128xf32, #tpu.memory_space<hbm>> -> memref<100000x128xf32, #tpu.memory_space<hbm>>
    tpu.wait_indirect_dma semaphore(%arg26 : memref<!tpu.dma_semaphore, #tpu.memory_space<semaphore_mem>>) src(%dma_wait3A_263 : memref<100000x128xf32, #tpu.memory_space<hbm>>) dst(%arg14 : memref<128x128xf32, #tpu.memory_space<vmem>>)
    %dma_start3A_264 = arith.constant 46 : i32
    %dma_start3A_265 = arith.constant 0 : i32
    %dma_start3A_266 = tpu.memref_slice %arg5[%dma_start3A_264, %mul3A_4, %dma_start3A_265] : memref<50x4096x128xf32, #tpu.memory_space<hbm>> -> memref<1x128x128xf32, #tpu.memory_space<hbm>>
    %dma_start3A_267 = tpu.memref_squeeze %dma_start3A_266 : memref<1x128x128xf32, #tpu.memory_space<hbm>> -> memref<128x128xf32, #tpu.memory_space<hbm>>
    %dma_start3A_268 = arith.constant 0 : i32
    %dma_start3A_269 = tpu.memref_slice %arg5[%dma_start3A_264, %mul3A_4, %dma_start3A_268] : memref<50x4096x128xf32, #tpu.memory_space<hbm>> -> memref<1x128x128xf32, #tpu.memory_space<hbm>>
    %dma_start3A_270 = tpu.memref_squeeze %dma_start3A_269 : memref<1x128x128xf32, #tpu.memory_space<hbm>> -> memref<128x128xf32, #tpu.memory_space<hbm>>
    tpu.enqueue_dma source(%arg14 : memref<128x128xf32, #tpu.memory_space<vmem>>) target(%dma_start3A_270 : memref<128x128xf32, #tpu.memory_space<hbm>>) target_semaphore(%arg32 : memref<!tpu.dma_semaphore, #tpu.memory_space<semaphore_mem>>)
    %dma_wait3A_271 = arith.constant 0 : i32
    %dma_wait3A_272 = arith.constant 0 : i32
    %dma_wait3A_273 = tpu.memref_slice %arg5[%dma_wait3A_271, %mul3A_4, %dma_wait3A_272] : memref<50x4096x128xf32, #tpu.memory_space<hbm>> -> memref<1x128x128xf32, #tpu.memory_space<hbm>>
    %dma_wait3A_274 = tpu.memref_squeeze %dma_wait3A_273 : memref<1x128x128xf32, #tpu.memory_space<hbm>> -> memref<128x128xf32, #tpu.memory_space<hbm>>
    %dma_wait3A_275 = arith.constant 0 : i32
    %dma_wait3A_276 = tpu.memref_slice %arg5[%dma_wait3A_271, %mul3A_4, %dma_wait3A_275] : memref<50x4096x128xf32, #tpu.memory_space<hbm>> -> memref<1x128x128xf32, #tpu.memory_space<hbm>>
    %dma_wait3A_277 = tpu.memref_squeeze %dma_wait3A_276 : memref<1x128x128xf32, #tpu.memory_space<hbm>> -> memref<128x128xf32, #tpu.memory_space<hbm>>
    tpu.wait_dma2 semaphore(%arg31 : memref<!tpu.dma_semaphore, #tpu.memory_space<semaphore_mem>>) src(%arg13 : memref<128x128xf32, #tpu.memory_space<vmem>>) dst(%dma_wait3A_277 : memref<128x128xf32, #tpu.memory_space<hbm>>)
    %dma_wait3A_278 = arith.constant 0 : i32
    %dma_wait3A_279 = tpu.memref_slice %arg7[%dma_wait3A_278] : memref<6400xi32, #tpu.memory_space<vmem>> -> memref<128xi32, #tpu.memory_space<vmem>>
    %dma_wait3A_280 = arith.constant 0 : i32
    %dma_wait3A_281 = arith.constant 0 : i32
    %dma_wait3A_282 = tpu.memref_slice %arg4[%dma_wait3A_280, %dma_wait3A_281] : memref<100000x128xf32, #tpu.memory_space<hbm>> -> memref<100000x128xf32, #tpu.memory_space<hbm>>
    tpu.wait_indirect_dma semaphore(%arg27 : memref<!tpu.dma_semaphore, #tpu.memory_space<semaphore_mem>>) src(%dma_wait3A_282 : memref<100000x128xf32, #tpu.memory_space<hbm>>) dst(%arg15 : memref<128x128xf32, #tpu.memory_space<vmem>>)
    %dma_start3A_283 = arith.constant 47 : i32
    %dma_start3A_284 = arith.constant 0 : i32
    %dma_start3A_285 = tpu.memref_slice %arg5[%dma_start3A_283, %mul3A_4, %dma_start3A_284] : memref<50x4096x128xf32, #tpu.memory_space<hbm>> -> memref<1x128x128xf32, #tpu.memory_space<hbm>>
    %dma_start3A_286 = tpu.memref_squeeze %dma_start3A_285 : memref<1x128x128xf32, #tpu.memory_space<hbm>> -> memref<128x128xf32, #tpu.memory_space<hbm>>
    %dma_start3A_287 = arith.constant 0 : i32
    %dma_start3A_288 = tpu.memref_slice %arg5[%dma_start3A_283, %mul3A_4, %dma_start3A_287] : memref<50x4096x128xf32, #tpu.memory_space<hbm>> -> memref<1x128x128xf32, #tpu.memory_space<hbm>>
    %dma_start3A_289 = tpu.memref_squeeze %dma_start3A_288 : memref<1x128x128xf32, #tpu.memory_space<hbm>> -> memref<128x128xf32, #tpu.memory_space<hbm>>
    tpu.enqueue_dma source(%arg15 : memref<128x128xf32, #tpu.memory_space<vmem>>) target(%dma_start3A_289 : memref<128x128xf32, #tpu.memory_space<hbm>>) target_semaphore(%arg33 : memref<!tpu.dma_semaphore, #tpu.memory_space<semaphore_mem>>)
    %dma_wait3A_290 = arith.constant 0 : i32
    %dma_wait3A_291 = arith.constant 0 : i32
    %dma_wait3A_292 = tpu.memref_slice %arg5[%dma_wait3A_290, %mul3A_4, %dma_wait3A_291] : memref<50x4096x128xf32, #tpu.memory_space<hbm>> -> memref<1x128x128xf32, #tpu.memory_space<hbm>>
    %dma_wait3A_293 = tpu.memref_squeeze %dma_wait3A_292 : memref<1x128x128xf32, #tpu.memory_space<hbm>> -> memref<128x128xf32, #tpu.memory_space<hbm>>
    %dma_wait3A_294 = arith.constant 0 : i32
    %dma_wait3A_295 = tpu.memref_slice %arg5[%dma_wait3A_290, %mul3A_4, %dma_wait3A_294] : memref<50x4096x128xf32, #tpu.memory_space<hbm>> -> memref<1x128x128xf32, #tpu.memory_space<hbm>>
    %dma_wait3A_296 = tpu.memref_squeeze %dma_wait3A_295 : memref<1x128x128xf32, #tpu.memory_space<hbm>> -> memref<128x128xf32, #tpu.memory_space<hbm>>
    tpu.wait_dma2 semaphore(%arg32 : memref<!tpu.dma_semaphore, #tpu.memory_space<semaphore_mem>>) src(%arg14 : memref<128x128xf32, #tpu.memory_space<vmem>>) dst(%dma_wait3A_296 : memref<128x128xf32, #tpu.memory_space<hbm>>)
    %dma_wait3A_297 = arith.constant 0 : i32
    %dma_wait3A_298 = tpu.memref_slice %arg7[%dma_wait3A_297] : memref<6400xi32, #tpu.memory_space<vmem>> -> memref<128xi32, #tpu.memory_space<vmem>>
    %dma_wait3A_299 = arith.constant 0 : i32
    %dma_wait3A_300 = arith.constant 0 : i32
    %dma_wait3A_301 = tpu.memref_slice %arg4[%dma_wait3A_299, %dma_wait3A_300] : memref<100000x128xf32, #tpu.memory_space<hbm>> -> memref<100000x128xf32, #tpu.memory_space<hbm>>
    tpu.wait_indirect_dma semaphore(%arg22 : memref<!tpu.dma_semaphore, #tpu.memory_space<semaphore_mem>>) src(%dma_wait3A_301 : memref<100000x128xf32, #tpu.memory_space<hbm>>) dst(%arg10 : memref<128x128xf32, #tpu.memory_space<vmem>>)
    %dma_start3A_302 = arith.constant 48 : i32
    %dma_start3A_303 = arith.constant 0 : i32
    %dma_start3A_304 = tpu.memref_slice %arg5[%dma_start3A_302, %mul3A_4, %dma_start3A_303] : memref<50x4096x128xf32, #tpu.memory_space<hbm>> -> memref<1x128x128xf32, #tpu.memory_space<hbm>>
    %dma_start3A_305 = tpu.memref_squeeze %dma_start3A_304 : memref<1x128x128xf32, #tpu.memory_space<hbm>> -> memref<128x128xf32, #tpu.memory_space<hbm>>
    %dma_start3A_306 = arith.constant 0 : i32
    %dma_start3A_307 = tpu.memref_slice %arg5[%dma_start3A_302, %mul3A_4, %dma_start3A_306] : memref<50x4096x128xf32, #tpu.memory_space<hbm>> -> memref<1x128x128xf32, #tpu.memory_space<hbm>>
    %dma_start3A_308 = tpu.memref_squeeze %dma_start3A_307 : memref<1x128x128xf32, #tpu.memory_space<hbm>> -> memref<128x128xf32, #tpu.memory_space<hbm>>
    tpu.enqueue_dma source(%arg10 : memref<128x128xf32, #tpu.memory_space<vmem>>) target(%dma_start3A_308 : memref<128x128xf32, #tpu.memory_space<hbm>>) target_semaphore(%arg28 : memref<!tpu.dma_semaphore, #tpu.memory_space<semaphore_mem>>)
    %dma_wait3A_309 = arith.constant 0 : i32
    %dma_wait3A_310 = arith.constant 0 : i32
    %dma_wait3A_311 = tpu.memref_slice %arg5[%dma_wait3A_309, %mul3A_4, %dma_wait3A_310] : memref<50x4096x128xf32, #tpu.memory_space<hbm>> -> memref<1x128x128xf32, #tpu.memory_space<hbm>>
    %dma_wait3A_312 = tpu.memref_squeeze %dma_wait3A_311 : memref<1x128x128xf32, #tpu.memory_space<hbm>> -> memref<128x128xf32, #tpu.memory_space<hbm>>
    %dma_wait3A_313 = arith.constant 0 : i32
    %dma_wait3A_314 = tpu.memref_slice %arg5[%dma_wait3A_309, %mul3A_4, %dma_wait3A_313] : memref<50x4096x128xf32, #tpu.memory_space<hbm>> -> memref<1x128x128xf32, #tpu.memory_space<hbm>>
    %dma_wait3A_315 = tpu.memref_squeeze %dma_wait3A_314 : memref<1x128x128xf32, #tpu.memory_space<hbm>> -> memref<128x128xf32, #tpu.memory_space<hbm>>
    tpu.wait_dma2 semaphore(%arg33 : memref<!tpu.dma_semaphore, #tpu.memory_space<semaphore_mem>>) src(%arg15 : memref<128x128xf32, #tpu.memory_space<vmem>>) dst(%dma_wait3A_315 : memref<128x128xf32, #tpu.memory_space<hbm>>)
    %dma_wait3A_316 = arith.constant 0 : i32
    %dma_wait3A_317 = tpu.memref_slice %arg7[%dma_wait3A_316] : memref<6400xi32, #tpu.memory_space<vmem>> -> memref<128xi32, #tpu.memory_space<vmem>>
    %dma_wait3A_318 = arith.constant 0 : i32
    %dma_wait3A_319 = arith.constant 0 : i32
    %dma_wait3A_320 = tpu.memref_slice %arg4[%dma_wait3A_318, %dma_wait3A_319] : memref<100000x128xf32, #tpu.memory_space<hbm>> -> memref<100000x128xf32, #tpu.memory_space<hbm>>
    tpu.wait_indirect_dma semaphore(%arg23 : memref<!tpu.dma_semaphore, #tpu.memory_space<semaphore_mem>>) src(%dma_wait3A_320 : memref<100000x128xf32, #tpu.memory_space<hbm>>) dst(%arg11 : memref<128x128xf32, #tpu.memory_space<vmem>>)
    %dma_start3A_321 = arith.constant 49 : i32
    %dma_start3A_322 = arith.constant 0 : i32
    %dma_start3A_323 = tpu.memref_slice %arg5[%dma_start3A_321, %mul3A_4, %dma_start3A_322] : memref<50x4096x128xf32, #tpu.memory_space<hbm>> -> memref<1x128x128xf32, #tpu.memory_space<hbm>>
    %dma_start3A_324 = tpu.memref_squeeze %dma_start3A_323 : memref<1x128x128xf32, #tpu.memory_space<hbm>> -> memref<128x128xf32, #tpu.memory_space<hbm>>
    %dma_start3A_325 = arith.constant 0 : i32
    %dma_start3A_326 = tpu.memref_slice %arg5[%dma_start3A_321, %mul3A_4, %dma_start3A_325] : memref<50x4096x128xf32, #tpu.memory_space<hbm>> -> memref<1x128x128xf32, #tpu.memory_space<hbm>>
    %dma_start3A_327 = tpu.memref_squeeze %dma_start3A_326 : memref<1x128x128xf32, #tpu.memory_space<hbm>> -> memref<128x128xf32, #tpu.memory_space<hbm>>
    tpu.enqueue_dma source(%arg11 : memref<128x128xf32, #tpu.memory_space<vmem>>) target(%dma_start3A_327 : memref<128x128xf32, #tpu.memory_space<hbm>>) target_semaphore(%arg29 : memref<!tpu.dma_semaphore, #tpu.memory_space<semaphore_mem>>)
    %dma_wait3A_328 = arith.constant 0 : i32
    %dma_wait3A_329 = arith.constant 0 : i32
    %dma_wait3A_330 = tpu.memref_slice %arg5[%dma_wait3A_328, %mul3A_4, %dma_wait3A_329] : memref<50x4096x128xf32, #tpu.memory_space<hbm>> -> memref<1x128x128xf32, #tpu.memory_space<hbm>>
    %dma_wait3A_331 = tpu.memref_squeeze %dma_wait3A_330 : memref<1x128x128xf32, #tpu.memory_space<hbm>> -> memref<128x128xf32, #tpu.memory_space<hbm>>
    %dma_wait3A_332 = arith.constant 0 : i32
    %dma_wait3A_333 = tpu.memref_slice %arg5[%dma_wait3A_328, %mul3A_4, %dma_wait3A_332] : memref<50x4096x128xf32, #tpu.memory_space<hbm>> -> memref<1x128x128xf32, #tpu.memory_space<hbm>>
    %dma_wait3A_334 = tpu.memref_squeeze %dma_wait3A_333 : memref<1x128x128xf32, #tpu.memory_space<hbm>> -> memref<128x128xf32, #tpu.memory_space<hbm>>
    tpu.wait_dma2 semaphore(%arg28 : memref<!tpu.dma_semaphore, #tpu.memory_space<semaphore_mem>>) src(%arg10 : memref<128x128xf32, #tpu.memory_space<vmem>>) dst(%dma_wait3A_334 : memref<128x128xf32, #tpu.memory_space<hbm>>)
    %dma_wait3A_335 = arith.constant 0 : i32
    %dma_wait3A_336 = arith.constant 0 : i32
    %dma_wait3A_337 = tpu.memref_slice %arg5[%dma_wait3A_335, %mul3A_4, %dma_wait3A_336] : memref<50x4096x128xf32, #tpu.memory_space<hbm>> -> memref<1x128x128xf32, #tpu.memory_space<hbm>>
    %dma_wait3A_338 = tpu.memref_squeeze %dma_wait3A_337 : memref<1x128x128xf32, #tpu.memory_space<hbm>> -> memref<128x128xf32, #tpu.memory_space<hbm>>
    %dma_wait3A_339 = arith.constant 0 : i32
    %dma_wait3A_340 = tpu.memref_slice %arg5[%dma_wait3A_335, %mul3A_4, %dma_wait3A_339] : memref<50x4096x128xf32, #tpu.memory_space<hbm>> -> memref<1x128x128xf32, #tpu.memory_space<hbm>>
    %dma_wait3A_341 = tpu.memref_squeeze %dma_wait3A_340 : memref<1x128x128xf32, #tpu.memory_space<hbm>> -> memref<128x128xf32, #tpu.memory_space<hbm>>
    tpu.wait_dma2 semaphore(%arg29 : memref<!tpu.dma_semaphore, #tpu.memory_space<semaphore_mem>>) src(%arg11 : memref<128x128xf32, #tpu.memory_space<vmem>>) dst(%dma_wait3A_341 : memref<128x128xf32, #tpu.memory_space<hbm>>)
    return
  }
}

</mosaic_0001>

<sc_bundles>
// kernel: _lookup.3.cloned.1.call-start
scs
__scs_entry_jumppad:
0x0: {  	(pc) =	sbr.rel $0x88, $3  }
0x1: {  	(tag) =	ssettag $0x0;
	lr =	simm.s32 $0x1  }
0x2: {  	[smem:$0x3F9E] =	sst lr;
	_ =	strace $0xD0000000  }
0x3: {  	_ = 	snop  }
0x4: {  	_ = 	snop  }
0x5: {  	_ = 	snop  }
0x6: {  	_ = 	snop  }
0x7: {  	_ = 	snop  }
__scs_overlays_trampoline_lowered:
0x8: {  	[smem:$0x3FAD] =	sst s0  }
0x9: {  	[smem:$0x3FAE] =	sst s1  }
0xa: {  	[smem:$0x3FAF] =	sst s2  }
0xb: {  	[smem:$0x3FB0] =	sst s3  }
0xc: {  	[smem:$0x3FB1] =	sst s4  }
0xd: {  	[smem:$0x3FB2] =	sst s5  }
0xe: {  	[smem:$0x3FB3] =	sst s6  }
0xf: {  	[smem:$0x3FB4] =	sst s7  }
0x10: {  	[smem:$0x3FB5] =	sst s8  }
0x11: {  	[smem:$0x3FB6] =	sst s9;
	s0 =	simm.s32 @!p0 $0x0  }
0x12: {  	s1 =	sld [smem:$0x3F9C];
	s0 =	simm.s32 @p0 $0x1  }
0x13: {  	[smem:$0x3FB7] =	sst s0;
	s0 =	simm.s32 @!p1 $0x0  }
0x14: {  	s2 =	sld [smem:$0x3F9B];
	s0 =	simm.s32 @p1 $0x1  }
0x15: {  	[smem:$0x3FB8] =	sst s0;
	s0 =	simm.s32 @!p2 $0x0  }
0x16: {  	s3 =	sld [smem:$0x3FDB];
	s0 =	simm.s32 @p2 $0x1  }
0x17: {  	s4 =	simm.s32 $0x1BF5;
	[smem:$0x3FBA] =	sst s0  }
0x18: {  	s0 =	sld [smem:$0x3F9D];
	_ =	swait.ge [sflag:s4], $0x0  }
0x19: {  	s7 =	sld [smem:$0x3F9E]  }
0x1a: {  	s8 =	sadd.s32 $0xFFFFE003, lr  }
0x1b: {  	s9 =	sadd.s32 $0xFFFFFEF7, lr;
	s5 =	simm.s32 $0xFFFFFFFF;
	p2 =	slt.u32 s8, $0xFFFFF086  }
0x1c: {  	p1 =	slt.u32 s9, $0xF7A;
	s5 =	simm.s32 @!p2 $0x0  }
0x1d: {  	s5 =	simm.s32 @p1 $0x1;
	p0 =	seq.s32 s7, s2  }
0x1e: {  	s7 =	smul.u32 @!p0 $0xF7A, s2;
	p2 =	seq.s32 @!p0 s5, $0x0  }
0x1f: {  	s9 =	smul.u32 $0xF7A, s1;
	s8 =	simm.s32 @!p0 $0x1BF5;
	p2 =	por !p2, p0  }
0x20: {  	[sflag:s8] =	ssyncset.s32 @!p0 $0xFFFFF086;
	s6 =	sadd.s32 @!p0 s3, s7;
	s7 =	simm.s32 @!p0 $0x108  }
0x21: {  	s3 =	sadd.s32 s3, s9;
	s6 =	sadd.s32 @!p0 $0x88, s6;
	s7 =	simm.s32 @p2 $0x1082  }
0x22: {  	[simem:s7], [sflag:s8] =	dma.local @!p0 [hbm:s6], $0xF7A  }
0x23: {  	s9 =	sor.u32 $0xD0000000, s2;
	s6 =	simm.s32 $0x108;
	_ =	swait.ge @!p0 [sflag:s8], $0x0  }
0x24: {  	s3 =	sadd.s32 $0x88, s3;
	s6 =	simm.s32 @!p1 $0x1082;
	[sflag:s4] =	ssyncset.s32 $0xFFFFF086  }
0x25: {  	[simem:s6], [sflag:s4] =	dma.local [hbm:s3], $0xF7A  }
0x26: {  	[smem:$0x3F9E] =	sst s1;
	(tag) =	ssettag s2;
	_ =	strace s9  }
0x27: {  	s1 =	sld [smem:$0x3FAE]  }
0x28: {  	s2 =	sld [smem:$0x3FAF]  }
0x29: {  	s4 =	sld [smem:$0x3FB1]  }
0x2a: {  	p0 =	seq.s32 s5, $0x0;
	s5 =	sld [smem:$0x3FB2]  }
0x2b: {  	s6 =	sld [smem:$0x3FB3]  }
0x2c: {  	s7 =	sld [smem:$0x3FB4]  }
0x2d: {  	s3 =	simm.s32 $0x108;
	s8 =	sld [smem:$0x3FB5]  }
0x2e: {  	s3 =	simm.s32 @!p0 $0x1082;
	s9 =	sld [smem:$0x3FB6]  }
0x2f: {  	lr =	sadd.s32 s0, s3;
	s0 =	sld [smem:$0x3FAD]  }
0x30: {  	s3 =	sld [smem:$0x3FB0]  }
0x31: {  	[smem:$0x3FB9] =	sst s10  }
0x32: {  	s10 =	sld [smem:$0x3FB7];
	_ =	sdelay $0x3  }
0x33: {  	p0 =	seq.s32 s10, $0x1;
	s10 =	sld [smem:$0x3FB9];
	_ =	sdelay $0x3  }
0x34: {  	[smem:$0x3FB9] =	sst s10  }
0x35: {  	s10 =	sld [smem:$0x3FB8];
	_ =	sdelay $0x3  }
0x36: {  	p1 =	seq.s32 s10, $0x1;
	s10 =	sld [smem:$0x3FB9];
	_ =	sdelay $0x3  }
0x37: {  	[smem:$0x3FB9] =	sst s10  }
0x38: {  	s10 =	sld [smem:$0x3FBA]  }
0x39: {  	_ = 	snop;
	(pc) =	sbr.ind lr, $3  }
0x3a: {  	_ = 	snop  }
0x3b: {  	_ = 	snop  }
0x3c: {  	p2 =	seq.s32 s10, $0x1;
	s10 =	sld [smem:$0x3FB9]  }
0x3d: {  	_ =	shalt  }
0x3e: {  	_ =	shalt  }
0x3f: {  	_ =	shalt  }
0x40: {  	_ =	shalt  }
0x41: {  	_ =	shalt  }
0x42: {  	_ =	shalt  }
0x43: {  	_ =	shalt  }
0x44: {  	_ =	shalt  }
0x45: {  	_ =	shalt  }
0x46: {  	_ =	shalt  }
0x47: {  	_ =	shalt  }
0x48: {  	_ =	shalt  }
0x49: {  	_ =	shalt  }
0x4a: {  	_ =	shalt  }
0x4b: {  	_ =	shalt  }
0x4c: {  	_ =	shalt  }
0x4d: {  	_ =	shalt  }
0x4e: {  	_ =	shalt  }
0x4f: {  	_ =	shalt  }
0x50: {  	_ =	shalt  }
0x51: {  	_ =	shalt  }
0x52: {  	_ =	shalt  }
0x53: {  	_ =	shalt  }
0x54: {  	_ =	shalt  }
0x55: {  	_ =	shalt  }
0x56: {  	_ =	shalt  }
0x57: {  	_ =	shalt  }
0x58: {  	_ =	shalt  }
0x59: {  	_ =	shalt  }
0x5a: {  	_ =	shalt  }
0x5b: {  	_ =	shalt  }
0x5c: {  	_ =	shalt  }
0x5d: {  	_ =	shalt  }
0x5e: {  	_ =	shalt  }
0x5f: {  	_ =	shalt  }
0x60: {  	_ =	shalt  }
0x61: {  	_ =	shalt  }
0x62: {  	_ =	shalt  }
0x63: {  	_ =	shalt  }
0x64: {  	_ =	shalt  }
0x65: {  	_ =	shalt  }
0x66: {  	_ =	shalt  }
0x67: {  	_ =	shalt  }
0x68: {  	_ =	shalt  }
0x69: {  	_ =	shalt  }
0x6a: {  	_ =	shalt  }
0x6b: {  	_ =	shalt  }
0x6c: {  	_ =	shalt  }
0x6d: {  	_ =	shalt  }
0x6e: {  	_ =	shalt  }
0x6f: {  	_ =	shalt  }
0x70: {  	_ =	shalt  }
0x71: {  	_ =	shalt  }
0x72: {  	_ =	shalt  }
0x73: {  	_ =	shalt  }
0x74: {  	_ =	shalt  }
0x75: {  	_ =	shalt  }
0x76: {  	_ =	shalt  }
0x77: {  	_ =	shalt  }
0x78: {  	_ =	shalt  }
0x79: {  	_ =	shalt  }
0x7a: {  	_ =	shalt  }
0x7b: {  	_ =	shalt  }
0x7c: {  	_ =	shalt  }
0x7d: {  	_ =	shalt  }
0x7e: {  	_ =	shalt  }
0x7f: {  	_ =	shalt  }
0x80: {  	_ =	shalt  }
0x81: {  	_ =	shalt  }
0x82: {  	_ =	shalt  }
0x83: {  	_ =	shalt  }
0x84: {  	_ =	shalt  }
0x85: {  	_ =	shalt  }
0x86: {  	_ =	shalt  }
0x87: {  	_ =	shalt  }
.Lfunc_end0:
.L_simem_size_0:
called_computation_lowered:
.L_overlay_start_0:
0x88: {  	s2 =	sld [smem:$0x3FD9]  }
0x89: {  	s3 =	sld [smem:$0x3FFE];
	_ =	sdelay $0x1  }
0x8a: {  	s1 =	srdreg.scid  }
0x8b: {  	s0 =	sand.u32 $0x1, s1  }
0x8c: {  	s18 =	sshll.u32 s0, $0xA;
	s2 =	sadd.s32 s3, s2  }
0x8d: {  	s2 =	sadd.s32 s2, s18  }
0x8e: {  	[smem:$0x3FC5] =	sst s2  }
0x8f: {  	_ = 	snop  }
0x90: {  	s2 =	sld [smem:$0x3FC9]  }
0x91: {  	s19 =	sld [smem:$0x3FC8]  }
0x92: {  	s4 =	sld [smem:$0x3FC7]  }
0x93: {  	s5 =	sld [smem:$0x3FD0];
	(tm) =	ssettm $0x1  }
0x94: {  	s6 =	sld [smem:$0x3FFB];
	_ =	sdelay $0x3  }
0x95: {  	_ =	strace s6  }
0x96: {  	s6 =	sld [smem:$0x3FFC];
	_ =	sdelay $0x3  }
0x97: {  	_ =	strace s6  }
0x98: {  	s6 =	sld [smem:$0x3FFD];
	_ =	sdelay $0x3  }
0x99: {  	_ =	strace s6  }
0x9a: {  	_ =	strace $0x8FFFFFFF  }
0x9b: {  	s20 =	sld [smem:$0x3FDB];
	_ =	sdelay $0x1  }
0x9c: {  	s7 =	simm.s32 $_scs_section_size  }
0x9d: {  	s8 =	simm.s32 $_size__tile_overlayer_lowered;
	s9 =	simm.s32 $_tile_overlayer_lowered  }
0x9e: {  	s23 =	simm.s32 $0x1BFF;
	s22 =	sshll.u32 s9, $0x1;
	s6 =	sadd.s32 s7, s20  }
0x9f: {  	s10 =	simm.s32 $0x0;
	s21 =	sshll.u32 s8, $0x1;
	s8 =	sadd.s32 s22, s6  }
0xa0: {  	[timem:s10], [sflag:s23] =	dma.local [hbm:s8], s21  }
0xa1: {  	_ =	swait.ge [sflag:s23], s21  }
0xa2: {  	s7 =	ssub.s32 $0x0, s21;
	[sflag:s23] =	ssyncset.done $0x0  }
0xa3: {  	[sflag:s23] =	ssyncadd.s32 s7;
	_ =	sdelay $0x1  }
0xa4: {  	s24 =	simm.s32 $0x1B8B  }
0xa5: {  	_ =	swait.ge [sflag:s24], $0x1  }
0xa6: {  	[sflag:s24] =	ssyncset.done $0x0  }
0xa7: {  	s25 =	simm.s32 $0x1B8E;
	[sflag:s24] =	ssyncadd.s32 $0xFFFFFFFF  }
0xa8: {  	s26 =	simm.s32 $execute0_lowered;
	[smem:$0x3FD2] =	sst s25  }
0xa9: {  	s7 =	sshll.u32 s26, $0x1;
	_ =	strace $0x80000046;
	[dreg:$0x1] =	wrdreg $0xFFFFFFFF  }
0xaa: {  	s28 =	simm.s32 $_size_execute0_lowered;
	s6 =	sadd.s32 s6, s7;
	[dreg:$0x0] =	wrdreg $0x0  }
0xab: {  	s7 =	sshll.u32 s28, $0x1;
	[dreg:$0x2] =	wrdreg s6  }
0xac: {  	[dreg:$0x3] =	wrdreg s7  }
0xad: {  	[dreg:$0x4] =	wrdreg $0xC0  }
0xae: {  	_ =	task [dreg:s10], $0x5FFFF  }
0xaf: {  	[dreg:$0x1] =	wrdreg $0xFFFFFFFF  }
0xb0: {  	[dreg:$0x0] =	wrdreg $0x60  }
0xb1: {  	[dreg:$0x2] =	wrdreg s2  }
0xb2: {  	[dreg:$0x3] =	wrdreg s19  }
0xb3: {  	[dreg:$0x4] =	wrdreg s4  }
0xb4: {  	[dreg:$0x5] =	wrdreg s5  }
0xb5: {  	[dreg:$0x6] =	wrdreg $0x4A800  }
0xb6: {  	[dreg:$0x7] =	wrdreg $0x9  }
0xb7: {  	_ =	task.clear_ibuf [dreg:s10], $0x8FFFF;
	_ =	strace $0x90000046  }
0xb8: {  	s29 =	simm.s32 $0x9;
	_ =	strace $0x80000048  }
0xb9: {  	_ =	swait.ge [sflag:s29], $0x1  }
0xba: {  	[sflag:s29] =	ssyncadd.s32 $0xFFFFFFFF  }
0xbb: {  	_ =	strace $0x90000048  }
0xbc: {  	_ =	sfence  }
0xbd: {  	s30 =	sld [smem:$0x0];
	_ =	sdelay $0x2  }
0xbe: {  	s31 =	sshll.u32 s1, $0xD;
	s1 =	sshrl.u32 s1, $0x2  }
0xbf: {  	s3 =	sand.u32 $0x4000, s31;
	s1 =	sadd.s32 s1, s30  }
0xc0: {  	s0 =	sor.u32 s3, s0;
	s1 =	sshll.u32 s1, $0x11  }
0xc1: {  	s0 =	sor.u32 s1, s0  }
0xc2: {  	s0 =	sadd.s32 $0x8F2B, s0  }
0xc3: {  	[sflag:s0] =	ssyncadd.remote.s32 $0x1  }
0xc4: {  	_ =	sfence.sel $0xFFFF  }
0xc5: {  	[dreg:$0x0] =	wrdreg $0xFFFFFFFF;
	(pc) =	sbr.abs _section_cstart, $3  }
0xc6: {  	[dreg:$0x1] =	wrdreg $0xFFFFFFFF  }
0xc7: {  	_ =	task.clear_ibuf [dreg:s10], $0x2FFFF;
	_ =	strace $0x9FFFFFFF  }
0xc8: {  	(tm) =	ssettm $0x7FFFFFFF  }
0xc9: {  	_ =	shalt  }
tec
execute0_lowered:
.L_overlay_start_1:
0x0: {  	(tag) =	ssettag $0x1  }
0x1: {  	s0 =	rddreg [dreg:$0x0]  }
0x2: {  	s2 =	rddreg [dreg:$0x1]  }
0x3: {  	s1 =	rddreg [dreg:$0x2]  }
0x4: {  	s12 =	rddreg [dreg:$0x3];
	s5 =	simm.s32 $0x0;
	s4 =	srdreg.scid  }
0x5: {  	s13 =	stileid.u32;
	[smem:$0x7FF] =	sst s5  }
0x6: {  	s4 =	sand.u32 $0x1, s4;
	s6 =	sshll.u32 s13, $0x1;
	s7 =	smul.u32 $0x1870, s13  }
0x7: {  	s3 =	rddreg [dreg:$0x4];
	_ =	strace $0x80000047;
	s6 =	sor.u32 s4, s6  }
0x8: {  	s10 =	sshrl.u32 s7, $0x3;
	s11 =	smul.u32 $0x320, s6;
	s25 =	sadd.s32 s7, s3  }
0x9: {  	s24 =	sshll.u32 s6, $0xB;
	s2 =	sadd.s32 s2, s10;
	[dreg:$0x7] =	wrdreg s25  }
0xa: {  	s28 =	simm.s32 $0x8;
	s26 =	sadd.s32 s12, s24;
	[dreg:$0x6] =	wrdreg s2  }
0xb: {  	s8 =	ssub.s32 $0x2, s4;
	s0 =	sadd.s32 s0, s11;
	[dreg:$0x9] =	wrdreg s26  }
0xc: {  	s9 =	sshrl.u32 s8, $0x1;
	s7 =	sadd.s32 $0x10000, s26;
	[dreg:$0x8] =	wrdreg s0  }
0xd: {  	s8 =	ssub.s32 s8, s9;
	s9 =	sadd.s32 $0x20000, s26;
	[dreg:$0xa] =	wrdreg s7  }
0xe: {  	s29 =	simm.s32 $0xD;
	s10 =	sadd.s32 $0x2D0000, s26;
	[dreg:$0xb] =	wrdreg s9  }
0xf: {  	s31 =	simm.s32 $0xA;
	s11 =	sadd.s32 $0x2E0000, s26;
	[dreg:$0xc] =	wrdreg s10  }
0x10: {  	s30 =	simm.s32 $0xC;
	s16 =	sadd.s32 $0x2F0000, s26;
	[dreg:$0xd] =	wrdreg s11  }
0x11: {  	s14 =	sshll.u32 s13, $0xF;
	s17 =	sadd.s32 $0x300000, s26;
	[dreg:$0xe] =	wrdreg s16  }
0x12: {  	s15 =	sshll.u32 s4, $0xE;
	s18 =	sadd.s32 $0x310000, s26;
	[dreg:$0xf] =	wrdreg s17  }
0x13: {  	s6 =	simm.s32 $0x0;
	s21 =	smax.u32 s8, $0x1;
	[dreg:$0x10] =	wrdreg s18  }
0x14: {  	s8 =	simm.s32 $0x11;
	s0 =	sor.u32 s15, s14;
	[dreg:$0x11] =	wrdreg s21  }
0x15: {  	s15 =	simm.s32 $0x62F0;
	s18 =	simm.s32 $0xA2F0;
	s21 =	simm.s32 $0x9  }
0x16: {  	s19 =	sor.u32 $0x380000, s0;
	s20 =	sor.u32 $0x280000, s0;
	s22 =	sor.u32 $0x300000, s0  }
0x17: {  	s24 =	sor.u32 $0x200000, s0;
	s25 =	sor.u32 $0x180000, s0;
	s0 =	sor.u32 $0x400000, s0  }
0x18: {  	s2 =	sshrl.u32 s19, $0x3;
	s4 =	sshrl.u32 s20, $0x3;
	[dreg:$0x13] =	wrdreg s22  }
0x19: {  	s0 =	sshrl.u32 s0, $0x3;
	s20 =	simm.s32 $0x122F0;
	s19 =	simm.s32 $0x7  }
0x1a: {  	s22 =	simm.s32 $0xE;
	s2 =	sadd.s32 s2, s12;
	s23 =	sadd.s32 s4, s12  }
0x1b: {  	s4 =	sshrl.u32 s25, $0x3;
	s0 =	sadd.s32 s0, s12;
	[dreg:$0x12] =	wrdreg s2  }
.Ltmp0:
0x1c: {  	s25 =	simm.s32 $0x1A2F0;
	[dreg:$0x14] =	wrdreg s23;
	(pc) =	sbr.rel .LBB2_1-.Ltmp0, $4  }
0x1d: {  	s2 =	sshrl.u32 s24, $0x3;
	s26 =	sadd.s32 s4, s12;
	[dreg:$0x17] =	wrdreg s0  }
0x1e: {  	s24 =	simm.s32 $0x162F0;
	s23 =	simm.s32 $0xF;
	s4 =	simm.s32 $0xB  }
0x1f: {  	s0 =	simm.s32 $0x10;
	s2 =	sadd.s32 s2, s12;
	[dreg:$0x16] =	wrdreg s26  }
0x20: {  	s26 =	simm.s32 $0x80;
	s12 =	simm.s32 $0x12;
	[dreg:$0x15] =	wrdreg s2  }
.LBB2_4:
0x21: {  	_ =	swait.ge [sflag:s31], $0x4000  }
0x22: {  	[sflag:s31] =	ssyncset.done $0x0  }
0x23: {  	s20 =	simm.s32 $0x122F0;
	s2 =	rddreg [dreg:$0xc];
	[sflag:s31] =	ssyncadd.s32 $0xFFFFC000  }
0x24: {  	[hbm4b:s2+s5] =	stream.linear.scatter [tilespmem:s20], [sflag:$0x10], $0x4000, $0x38;
	[tilespmem:$0x1E2F0] =	vst v63  }
0x25: {  	_ =	swait.ge [sflag:s23], $0x4000  }
0x26: {  	[sflag:s23] =	ssyncset.done $0x0  }
0x27: {  	[sflag:s23] =	ssyncadd.s32 $0xFFFFC000  }
0x28: {  	_ =	swait.ge [sflag:s4], $0x4000  }
0x29: {  	[sflag:s4] =	ssyncset.done $0x0  }
0x2a: {  	s24 =	simm.s32 $0x162F0;
	s11 =	rddreg [dreg:$0xd];
	[sflag:s4] =	ssyncadd.s32 $0xFFFFC000  }
0x2b: {  	[hbm4b:s11+s5] =	stream.linear.scatter [tilespmem:s24], [sflag:$0x11], $0x4000, $0x38;
	[tilespmem:$0x1E2F0] =	vst v63  }
0x2c: {  	_ =	swait.ge [sflag:s0], $0x4000  }
0x2d: {  	[sflag:s0] =	ssyncset.done $0x0  }
0x2e: {  	[sflag:s0] =	ssyncadd.s32 $0xFFFFC000  }
0x2f: {  	_ =	swait.ge [sflag:s30], $0x4000  }
0x30: {  	[sflag:s30] =	ssyncset.done $0x0  }
0x31: {  	s25 =	simm.s32 $0x1A2F0;
	s13 =	rddreg [dreg:$0xe];
	[sflag:s30] =	ssyncadd.s32 $0xFFFFC000  }
0x32: {  	[hbm4b:s13+s5] =	stream.linear.scatter [tilespmem:s25], [sflag:$0x12], $0x4000, $0x38;
	[tilespmem:$0x1E2F0] =	vst v63  }
0x33: {  	_ =	swait.ge [sflag:s8], $0x4000  }
0x34: {  	[sflag:s8] =	ssyncset.done $0x0  }
0x35: {  	s19 =	simm.s32 $0x7;
	[sflag:s8] =	ssyncadd.s32 $0xFFFFC000  }
0x36: {  	_ =	swait.ge [sflag:s19], $0x4000  }
0x37: {  	[sflag:s19] =	ssyncset.done $0x0  }
0x38: {  	s15 =	simm.s32 $0x62F0;
	s14 =	rddreg [dreg:$0xf];
	[sflag:s19] =	ssyncadd.s32 $0xFFFFC000  }
0x39: {  	[hbm4b:s14+s5] =	stream.linear.scatter [tilespmem:s15], [sflag:$0xD], $0x4000, $0x38;
	[tilespmem:$0x1E2F0] =	vst v63  }
0x3a: {  	_ =	swait.ge [sflag:s12], $0x4000  }
0x3b: {  	[sflag:s12] =	ssyncset.done $0x0  }
0x3c: {  	[sflag:s12] =	ssyncadd.s32 $0xFFFFC000  }
0x3d: {  	_ =	swait.ge [sflag:s28], $0x4000  }
0x3e: {  	[sflag:s28] =	ssyncset.done $0x0  }
0x3f: {  	s18 =	simm.s32 $0xA2F0;
	s16 =	rddreg [dreg:$0x10];
	[sflag:s28] =	ssyncadd.s32 $0xFFFFC000  }
0x40: {  	[hbm4b:s16+s5] =	stream.linear.scatter [tilespmem:s18], [sflag:$0xE], $0x4000, $0x38;
	[tilespmem:$0x1E2F0] =	vst v63  }
0x41: {  	_ =	swait.ge [sflag:s29], $0x4000  }
0x42: {  	[sflag:s29] =	ssyncset.done $0x0  }
0x43: {  	[sflag:s29] =	ssyncadd.s32 $0xFFFFC000  }
0x44: {  	_ =	swait.ge [sflag:s22], $0x4000  }
0x45: {  	s6 =	rddreg [dreg:$0x18]  }
0x46: {  	s17 =	rddreg [dreg:$0x11];
	s6 =	sadd.s32 $0x1, s6  }
0x47: {  	p0 =	sne.s32 s6, s17  }
.Ltmp1:
0x48: {  	_ = 	snop;
	(pc) =	sbr.rel @!p0 .LBB2_5-.Ltmp1, $3  }
0x49: {  	_ =	sdelay $0x1  }
0x4a: {  	[sflag:s22] =	ssyncset.done $0x0  }
0x4b: {  	[sflag:s22] =	ssyncadd.s32 $0xFFFFC000  }
.LBB2_1:
0x4c: {  	[dreg:$0x18] =	wrdreg s6  }
0x4d: {  	s2 =	rddreg [dreg:$0x6];
	s10 =	simm.s32 $0x3200;
	s7 =	simm.s32 $0x13  }
0x4e: {  	[tilespmem:s10], [sflag:$0x13] =	stream.linear.gather [hbm4b:s2+s5], $0x1870, $0x38;
	[tilespmem:$0x1E2F0] =	vst v63  }
0x4f: {  	_ =	swait.ge [sflag:s7], $0x1870  }
0x50: {  	[sflag:s7] =	ssyncset.done $0x0  }
0x51: {  	s11 =	rddreg [dreg:$0x7];
	[sflag:s7] =	ssyncadd.s32 $0xFFFFE790  }
0x52: {  	[spmem:s11] =	stream.linear.scatter [tilespmem:s10], [sflag:$0x13], $0x1870, $0x38;
	[tilespmem:$0x1E2F0] =	vst v63  }
0x53: {  	_ =	swait.ge [sflag:s7], $0x1870  }
0x54: {  	[sflag:s7] =	ssyncset.done $0x0  }
0x55: {  	s13 =	rddreg [dreg:$0x8];
	[sflag:s7] =	ssyncadd.s32 $0xFFFFE790  }
0x56: {  	[tilespmem:s5], [sflag:$0x13] =	stream.linear.gather [hbm4b:s13+s5], $0x1900, $0x38;
	[tilespmem:$0x1E2F0] =	vst v63  }
0x57: {  	_ =	swait.ge [sflag:s7], $0x1900  }
0x58: {  	[sflag:s7] =	ssyncset.done $0x0  }
0x59: {  	[sflag:s7] =	ssyncadd.s32 $0xFFFFE700  }
0x5a: {  	s2 =	simm.s32 $0x1900;
	[bflag:$0x0] =	sbarrier.arrive $0xFFFF  }
0x5b: {  	[tilespmem:s2], [sflag:$0x1] =	stream.indirect.gather [spmem:s3], $0x1, s5, s26, $0xb8;
	[tilespmem:$0x1E2F0] =	vst v63  }
0x5c: {  	s6 =	simm.s32 $0x1980  }
0x5d: {  	[tilespmem:s6], [sflag:$0x2] =	stream.indirect.gather [spmem:s3], $0x1, s26, s26, $0xb8;
	[tilespmem:$0x1E2F0] =	vst v63  }
0x5e: {  	s14 =	simm.s32 $0x100;
	s9 =	simm.s32 $0x1A00  }
0x5f: {  	[tilespmem:s9], [sflag:$0x3] =	stream.indirect.gather [spmem:s3], $0x1, s14, s26, $0xb8;
	[tilespmem:$0x1E2F0] =	vst v63  }
0x60: {  	s16 =	simm.s32 $0x180;
	s11 =	simm.s32 $0x1A80  }
0x61: {  	[tilespmem:s11], [sflag:$0x4] =	stream.indirect.gather [spmem:s3], $0x1, s16, s26, $0xb8;
	[tilespmem:$0x1E2F0] =	vst v63  }
0x62: {  	s17 =	simm.s32 $0x200;
	s13 =	simm.s32 $0x1B00  }
0x63: {  	[tilespmem:s13], [sflag:$0x5] =	stream.indirect.gather [spmem:s3], $0x1, s17, s26, $0xb8;
	[tilespmem:$0x1E2F0] =	vst v63  }
0x64: {  	s10 =	simm.s32 $0x280;
	s7 =	simm.s32 $0x1;
	s14 =	simm.s32 $0x1B80  }
0x65: {  	[tilespmem:s14], [sflag:$0x6] =	stream.indirect.gather [spmem:s3], $0x1, s10, s26, $0xb8;
	[tilespmem:$0x1E2F0] =	vst v63  }
0x66: {  	_ =	swait.ge [sflag:s7], $0x80  }
0x67: {  	[sflag:s7] =	ssyncset.done $0x0  }
0x68: {  	[sflag:s7] =	ssyncadd.s32 $0xFFFFFF80  }
0x69: {  	[tilespmem:s15], [sflag:$0x7] =	stream.indirect.gather [hbm4b:s1+s26], $0x80, s2, s26, $0xb8;
	[tilespmem:$0x1E2F0] =	vst v63  }
0x6a: {  	s16 =	simm.s32 $0x300;
	s10 =	simm.s32 $0x1C00  }
0x6b: {  	[tilespmem:s10], [sflag:$0x1] =	stream.indirect.gather [spmem:s3], $0x1, s16, s26, $0xb8;
	[tilespmem:$0x1E2F0] =	vst v63  }
0x6c: {  	s16 =	simm.s32 $0x2  }
0x6d: {  	_ =	swait.ge [sflag:s16], $0x80  }
0x6e: {  	[sflag:s16] =	ssyncset.done $0x0  }
0x6f: {  	[sflag:s16] =	ssyncadd.s32 $0xFFFFFF80  }
0x70: {  	[tilespmem:s18], [sflag:$0x8] =	stream.indirect.gather [hbm4b:s1+s26], $0x80, s6, s26, $0xb8;
	[tilespmem:$0x1E2F0] =	vst v63  }
0x71: {  	s17 =	simm.s32 $0x380;
	s6 =	simm.s32 $0x1C80  }
0x72: {  	[tilespmem:s6], [sflag:$0x2] =	stream.indirect.gather [spmem:s3], $0x1, s17, s26, $0xb8;
	[tilespmem:$0x1E2F0] =	vst v63  }
0x73: {  	s17 =	simm.s32 $0x3  }
0x74: {  	_ =	swait.ge [sflag:s17], $0x80  }
0x75: {  	[sflag:s17] =	ssyncset.done $0x0  }
0x76: {  	[sflag:s17] =	ssyncadd.s32 $0xFFFFFF80;
	s17 =	simm.s32 $0xE2F0  }
0x77: {  	[tilespmem:s17], [sflag:$0x9] =	stream.indirect.gather [hbm4b:s1+s26], $0x80, s9, s26, $0xb8;
	[tilespmem:$0x1E2F0] =	vst v63  }
0x78: {  	s2 =	simm.s32 $0x400;
	s9 =	simm.s32 $0x1D00  }
0x79: {  	[tilespmem:s9], [sflag:$0x3] =	stream.indirect.gather [spmem:s3], $0x1, s2, s26, $0xb8;
	[tilespmem:$0x1E2F0] =	vst v63  }
0x7a: {  	s9 =	simm.s32 $0x4  }
0x7b: {  	_ =	swait.ge [sflag:s9], $0x80  }
0x7c: {  	[sflag:s9] =	ssyncset.done $0x0  }
0x7d: {  	[sflag:s9] =	ssyncadd.s32 $0xFFFFFF80  }
0x7e: {  	[tilespmem:s20], [sflag:$0xA] =	stream.indirect.gather [hbm4b:s1+s26], $0x80, s11, s26, $0xb8;
	[tilespmem:$0x1E2F0] =	vst v63  }
0x7f: {  	s11 =	simm.s32 $0x480;
	s20 =	simm.s32 $0x1D80  }
0x80: {  	[tilespmem:s20], [sflag:$0x4] =	stream.indirect.gather [spmem:s3], $0x1, s11, s26, $0xb8;
	[tilespmem:$0x1E2F0] =	vst v63  }
0x81: {  	s11 =	simm.s32 $0x5  }
0x82: {  	_ =	swait.ge [sflag:s11], $0x80  }
0x83: {  	[sflag:s11] =	ssyncset.done $0x0  }
0x84: {  	[sflag:s11] =	ssyncadd.s32 $0xFFFFFF80  }
0x85: {  	[tilespmem:s24], [sflag:$0xB] =	stream.indirect.gather [hbm4b:s1+s26], $0x80, s13, s26, $0xb8;
	[tilespmem:$0x1E2F0] =	vst v63  }
0x86: {  	s20 =	simm.s32 $0x1E00;
	s13 =	simm.s32 $0x500  }
0x87: {  	[tilespmem:s20], [sflag:$0x5] =	stream.indirect.gather [spmem:s3], $0x1, s13, s26, $0xb8;
	[tilespmem:$0x1E2F0] =	vst v63  }
0x88: {  	_ =	swait.ge [sflag:s19], $0x4000  }
0x89: {  	[sflag:s19] =	ssyncset.done $0x0  }
0x8a: {  	s9 =	simm.s32 $0x6;
	s24 =	rddreg [dreg:$0x9];
	[sflag:s19] =	ssyncadd.s32 $0xFFFFC000  }
0x8b: {  	[hbm4b:s24+s5] =	stream.linear.scatter [tilespmem:s15], [sflag:$0xD], $0x4000, $0x38;
	[tilespmem:$0x1E2F0] =	vst v63  }
0x8c: {  	_ =	swait.ge [sflag:s9], $0x80  }
0x8d: {  	[sflag:s9] =	ssyncset.done $0x0  }
0x8e: {  	[sflag:s9] =	ssyncadd.s32 $0xFFFFFF80  }
0x8f: {  	[tilespmem:s25], [sflag:$0xC] =	stream.indirect.gather [hbm4b:s1+s26], $0x80, s14, s26, $0xb8;
	[tilespmem:$0x1E2F0] =	vst v63  }
0x90: {  	s11 =	simm.s32 $0x580;
	s13 =	simm.s32 $0x1E80  }
0x91: {  	[tilespmem:s13], [sflag:$0x6] =	stream.indirect.gather [spmem:s3], $0x1, s11, s26, $0xb8;
	[tilespmem:$0x1E2F0] =	vst v63  }
0x92: {  	_ =	swait.ge [sflag:s28], $0x4000  }
0x93: {  	[sflag:s28] =	ssyncset.done $0x0  }
0x94: {  	s14 =	rddreg [dreg:$0xa];
	[sflag:s28] =	ssyncadd.s32 $0xFFFFC000  }
0x95: {  	[hbm4b:s14+s5] =	stream.linear.scatter [tilespmem:s18], [sflag:$0xE], $0x4000, $0x38;
	[tilespmem:$0x1E2F0] =	vst v63  }
0x96: {  	_ =	swait.ge [sflag:s29], $0x4000  }
0x97: {  	[sflag:s29] =	ssyncset.done $0x0  }
0x98: {  	[sflag:s29] =	ssyncadd.s32 $0xFFFFC000  }
0x99: {  	_ =	swait.ge [sflag:s7], $0x80  }
0x9a: {  	[sflag:s7] =	ssyncset.done $0x0  }
0x9b: {  	[sflag:s7] =	ssyncadd.s32 $0xFFFFFF80  }
0x9c: {  	[tilespmem:s15], [sflag:$0x7] =	stream.indirect.gather [hbm4b:s1+s26], $0x80, s10, s26, $0xb8;
	[tilespmem:$0x1E2F0] =	vst v63  }
0x9d: {  	s19 =	simm.s32 $0x1F00;
	s15 =	simm.s32 $0x600  }
0x9e: {  	[tilespmem:s19], [sflag:$0x1] =	stream.indirect.gather [spmem:s3], $0x1, s15, s26, $0xb8;
	[tilespmem:$0x1E2F0] =	vst v63  }
0x9f: {  	_ =	swait.ge [sflag:s21], $0x4000  }
0xa0: {  	[sflag:s21] =	ssyncset.done $0x0  }
0xa1: {  	s20 =	rddreg [dreg:$0xb];
	[sflag:s21] =	ssyncadd.s32 $0xFFFFC000  }
0xa2: {  	[hbm4b:s20+s5] =	stream.linear.scatter [tilespmem:s17], [sflag:$0xF], $0x4000, $0x38;
	[tilespmem:$0x1E2F0] =	vst v63  }
0xa3: {  	_ =	swait.ge [sflag:s22], $0x4000  }
0xa4: {  	[sflag:s22] =	ssyncset.done $0x0  }
0xa5: {  	[sflag:s22] =	ssyncadd.s32 $0xFFFFC000  }
0xa6: {  	_ =	swait.ge [sflag:s16], $0x80  }
0xa7: {  	s9 =	rddreg [dreg:$0x16]  }
0xa8: {  	s2 =	rddreg [dreg:$0x15]  }
0xa9: {  	[sflag:s16] =	ssyncset.done $0x0;
	s14 =	rddreg [dreg:$0x14]  }
0xaa: {  	s7 =	rddreg [dreg:$0x13];
	[sflag:s16] =	ssyncadd.s32 $0xFFFFFF80  }
0xab: {  	[tilespmem:s18], [sflag:$0x8] =	stream.indirect.gather [hbm4b:s1+s26], $0x80, s6, s26, $0xb8;
	[tilespmem:$0x1E2F0] =	vst v63  }
0xac: {  	s24 =	simm.s32 $0x680;
	s25 =	simm.s32 $0x1F80;
	s16 =	rddreg [dreg:$0x12]  }
0xad: {  	[tilespmem:s25], [sflag:$0x2] =	stream.indirect.gather [spmem:s3], $0x1, s24, s26, $0xb8;
	[tilespmem:$0x1E2F0] =	vst v63  }
0xae: {  	s11 =	simm.s32 $0x0;
	s25 =	rddreg [dreg:$0x17]  }
.LBB2_2:
0xaf: {  	_ =	swait.ge [sflag:s31], $0x4000  }
0xb0: {  	[sflag:s31] =	ssyncset.done $0x0  }
0xb1: {  	s10 =	simm.s32 $0x122F0;
	[sflag:s31] =	ssyncadd.s32 $0xFFFFC000  }
0xb2: {  	[hbm4b:s9+s5] =	stream.linear.scatter [tilespmem:s10], [sflag:$0x10], $0x4000, $0x38;
	[tilespmem:$0x1E2F0] =	vst v63  }
0xb3: {  	_ =	swait.ge [sflag:s23], $0x4000  }
0xb4: {  	[sflag:s23] =	ssyncset.done $0x0  }
0xb5: {  	s6 =	simm.s32 $0x3;
	[sflag:s23] =	ssyncadd.s32 $0xFFFFC000  }
0xb6: {  	s18 =	sshra.s32 s11, $0x2;
	_ =	swait.ge [sflag:s6], $0x80  }
0xb7: {  	s20 =	simm.s32 $0xE2F0;
	p0 =	seq.s32 s11, $0x4800;
	[sflag:s6] =	ssyncset.done $0x0  }
0xb8: {  	s13 =	sadd.s32 $0x1D00, s18;
	s24 =	sshra.s32 @!p0 s11, $0x2;
	[sflag:s6] =	ssyncadd.s32 $0xFFFFFF80  }
0xb9: {  	[tilespmem:s20], [sflag:$0x9] =	stream.indirect.gather [hbm4b:s1+s26], $0x80, s13, s26, $0xb8;
	[tilespmem:$0x1E2F0] =	vst v63  }
0xba: {  	s15 =	sadd.s32 @!p0 $0x700, s24;
	s6 =	sadd.s32 @!p0 $0x2000, s24;
	s13 =	simm.s32 @!p0 $0x80  }
0xbb: {  	[tilespmem:s6], [sflag:$0x3] =	stream.indirect.gather @!p0 [spmem:s3], $0x1, s15, s13, $0xb8;
	[tilespmem:$0x1E2F0] =	vst v63  }
0xbc: {  	_ =	swait.ge [sflag:s4], $0x4000  }
0xbd: {  	[sflag:s4] =	ssyncset.done $0x0  }
0xbe: {  	s17 =	simm.s32 $0x162F0;
	[sflag:s4] =	ssyncadd.s32 $0xFFFFC000  }
0xbf: {  	[hbm4b:s2+s5] =	stream.linear.scatter [tilespmem:s17], [sflag:$0x11], $0x4000, $0x38;
	[tilespmem:$0x1E2F0] =	vst v63  }
0xc0: {  	_ =	swait.ge [sflag:s0], $0x4000  }
0xc1: {  	[sflag:s0] =	ssyncset.done $0x0  }
0xc2: {  	s15 =	simm.s32 $0x4;
	[sflag:s0] =	ssyncadd.s32 $0xFFFFC000  }
0xc3: {  	_ =	swait.ge [sflag:s15], $0x80  }
0xc4: {  	[sflag:s15] =	ssyncset.done $0x0  }
0xc5: {  	s19 =	sadd.s32 $0x1D80, s18;
	[sflag:s15] =	ssyncadd.s32 $0xFFFFFF80  }
0xc6: {  	[tilespmem:s10], [sflag:$0xA] =	stream.indirect.gather [hbm4b:s1+s26], $0x80, s19, s26, $0xb8;
	[tilespmem:$0x1E2F0] =	vst v63  }
0xc7: {  	s6 =	sadd.s32 @!p0 $0x2080, s24;
	s15 =	sadd.s32 @!p0 $0x780, s24  }
0xc8: {  	[tilespmem:s6], [sflag:$0x4] =	stream.indirect.gather @!p0 [spmem:s3], $0x1, s15, s13, $0xb8;
	[tilespmem:$0x1E2F0] =	vst v63  }
0xc9: {  	_ =	swait.ge [sflag:s30], $0x4000  }
0xca: {  	[sflag:s30] =	ssyncset.done $0x0  }
0xcb: {  	s19 =	simm.s32 $0x1A2F0;
	[sflag:s30] =	ssyncadd.s32 $0xFFFFC000  }
0xcc: {  	[hbm4b:s14+s5] =	stream.linear.scatter [tilespmem:s19], [sflag:$0x12], $0x4000, $0x38;
	[tilespmem:$0x1E2F0] =	vst v63  }
0xcd: {  	_ =	swait.ge [sflag:s8], $0x4000  }
0xce: {  	[sflag:s8] =	ssyncset.done $0x0  }
0xcf: {  	s15 =	simm.s32 $0x5;
	[sflag:s8] =	ssyncadd.s32 $0xFFFFC000  }
0xd0: {  	_ =	swait.ge [sflag:s15], $0x80  }
0xd1: {  	[sflag:s15] =	ssyncset.done $0x0  }
0xd2: {  	s10 =	sadd.s32 $0x1E00, s18;
	[sflag:s15] =	ssyncadd.s32 $0xFFFFFF80  }
0xd3: {  	[tilespmem:s17], [sflag:$0xB] =	stream.indirect.gather [hbm4b:s1+s26], $0x80, s10, s26, $0xb8;
	[tilespmem:$0x1E2F0] =	vst v63  }
0xd4: {  	s6 =	sadd.s32 @!p0 $0x2100, s24;
	s15 =	sadd.s32 @!p0 $0x800, s24  }
0xd5: {  	[tilespmem:s6], [sflag:$0x5] =	stream.indirect.gather @!p0 [spmem:s3], $0x1, s15, s13, $0xb8;
	[tilespmem:$0x1E2F0] =	vst v63  }
0xd6: {  	s15 =	simm.s32 $0x7  }
0xd7: {  	_ =	swait.ge [sflag:s15], $0x4000  }
0xd8: {  	[sflag:s15] =	ssyncset.done $0x0  }
0xd9: {  	[sflag:s15] =	ssyncadd.s32 $0xFFFFC000  }
0xda: {  	s17 =	sshrl.u32 s7, $0x3;
	s10 =	rddreg [dreg:$0x3]  }
0xdb: {  	s6 =	sadd.s32 s10, s17;
	s10 =	simm.s32 $0x62F0  }
0xdc: {  	[hbm4b:s6+s5] =	stream.linear.scatter [tilespmem:s10], [sflag:$0xD], $0x4000, $0x38;
	[tilespmem:$0x1E2F0] =	vst v63  }
0xdd: {  	_ =	swait.ge [sflag:s12], $0x4000  }
0xde: {  	[sflag:s12] =	ssyncset.done $0x0  }
0xdf: {  	s15 =	simm.s32 $0x6;
	[sflag:s12] =	ssyncadd.s32 $0xFFFFC000  }
0xe0: {  	_ =	swait.ge [sflag:s15], $0x80  }
0xe1: {  	[sflag:s15] =	ssyncset.done $0x0  }
0xe2: {  	s17 =	sadd.s32 $0x1E80, s18;
	[sflag:s15] =	ssyncadd.s32 $0xFFFFFF80  }
0xe3: {  	[tilespmem:s19], [sflag:$0xC] =	stream.indirect.gather [hbm4b:s1+s26], $0x80, s17, s26, $0xb8;
	[tilespmem:$0x1E2F0] =	vst v63  }
0xe4: {  	s6 =	sadd.s32 @!p0 $0x2180, s24;
	s15 =	sadd.s32 @!p0 $0x880, s24  }
0xe5: {  	[tilespmem:s6], [sflag:$0x6] =	stream.indirect.gather @!p0 [spmem:s3], $0x1, s15, s13, $0xb8;
	[tilespmem:$0x1E2F0] =	vst v63  }
0xe6: {  	_ =	swait.ge [sflag:s28], $0x4000  }
0xe7: {  	[sflag:s28] =	ssyncset.done $0x0  }
0xe8: {  	s17 =	simm.s32 $0xA2F0;
	[sflag:s28] =	ssyncadd.s32 $0xFFFFC000  }
0xe9: {  	[hbm4b:s16+s5] =	stream.linear.scatter [tilespmem:s17], [sflag:$0xE], $0x4000, $0x38;
	[tilespmem:$0x1E2F0] =	vst v63  }
0xea: {  	_ =	swait.ge [sflag:s29], $0x4000  }
0xeb: {  	[sflag:s29] =	ssyncset.done $0x0  }
0xec: {  	s15 =	simm.s32 $0x1;
	[sflag:s29] =	ssyncadd.s32 $0xFFFFC000  }
0xed: {  	_ =	swait.ge [sflag:s15], $0x80  }
0xee: {  	[sflag:s15] =	ssyncset.done $0x0  }
0xef: {  	s19 =	sadd.s32 $0x1F00, s18;
	[sflag:s15] =	ssyncadd.s32 $0xFFFFFF80  }
0xf0: {  	[tilespmem:s10], [sflag:$0x7] =	stream.indirect.gather [hbm4b:s1+s26], $0x80, s19, s26, $0xb8;
	[tilespmem:$0x1E2F0] =	vst v63  }
0xf1: {  	s6 =	sadd.s32 @!p0 $0x2200, s24;
	s15 =	sadd.s32 @!p0 $0x900, s24  }
0xf2: {  	[tilespmem:s6], [sflag:$0x1] =	stream.indirect.gather @!p0 [spmem:s3], $0x1, s15, s13, $0xb8;
	[tilespmem:$0x1E2F0] =	vst v63  }
0xf3: {  	_ =	swait.ge [sflag:s21], $0x4000  }
0xf4: {  	[sflag:s21] =	ssyncset.done $0x0  }
0xf5: {  	[sflag:s21] =	ssyncadd.s32 $0xFFFFC000  }
0xf6: {  	[hbm4b:s25+s5] =	stream.linear.scatter [tilespmem:s20], [sflag:$0xF], $0x4000, $0x38;
	[tilespmem:$0x1E2F0] =	vst v63  }
0xf7: {  	_ =	swait.ge [sflag:s22], $0x4000  }
0xf8: {  	[sflag:s22] =	ssyncset.done $0x0  }
.Ltmp2:
0xf9: {  	s20 =	simm.s32 $0x2;
	[sflag:s22] =	ssyncadd.s32 $0xFFFFC000;
	(pc) =	sbr.rel @p0 .LBB2_4-.Ltmp2, $4  }
0xfa: {  	_ =	swait.ge [sflag:s20], $0x80  }
0xfb: {  	[sflag:s20] =	ssyncset.done $0x0  }
0xfc: {  	s24 =	sadd.s32 $0x1F80, s18;
	[sflag:s20] =	ssyncadd.s32 $0xFFFFFF80  }
0xfd: {  	[tilespmem:s17], [sflag:$0x8] =	stream.indirect.gather [hbm4b:s1+s26], $0x80, s24, s26, $0xb8;
	[tilespmem:$0x1E2F0] =	vst v63  }
.Ltmp3:
0xfe: {  	(pc) =	sbr.rel .LBB2_2-.Ltmp3, $4  }
0xff: {  	s6 =	sadd.s32 $0x2280, s18;
	s13 =	sadd.s32 $0x980, s18;
	s11 =	sadd.s32 $0xC00, s11  }
0x100: {  	s16 =	sadd.s32 $0x60000, s16;
	s7 =	sadd.s32 $0x300000, s7;
	s14 =	sadd.s32 $0x60000, s14  }
0x101: {  	s2 =	sadd.s32 $0x60000, s2;
	s9 =	sadd.s32 $0x60000, s9;
	s25 =	sadd.s32 $0x60000, s25  }
0x102: {  	[tilespmem:s6], [sflag:$0x2] =	stream.indirect.gather [spmem:s3], $0x1, s13, s26, $0xb8;
	[tilespmem:$0x1E2F0] =	vst v63  }
.LBB2_5:
0x103: {  	_ =	sfence.sel $0x180000  }
0x104: {  	[bflag:$0x0] =	sbarrier.arrive $0xFFFF  }
0x105: {  	_ =	strace $0x90000047  }
0x106: {  	s0 =	stileid.u32;
	[bflag:$0x2] =	sbarrier.arrive $0xFFFF  }
0x107: {  	p0 =	sne.s32 s0, $0x0;
	s0 =	rddreg [dreg:$0x5]  }
0x108: {  	s0 =	sadd.s32 @!p0 $0x100000, s0  }
0x109: {  	[sflag:s0] =	ssyncadd.tile.s32 @!p0 $0x1;
	_ =	shalt  }
.Lfunc_end2:
_tile_overlayer_lowered:
.L_overlay_start_2:
0x10a: {  	(tag) =	ssettag $0x2  }
0x10b: {  	s0 =	rddreg [dreg:$0x0];
	s2 =	stileid.u32  }
0x10c: {  	s1 =	rddreg [dreg:$0x1];
	p0 =	sne.s32 s2, $0x0  }
0x10d: {  	s3 =	rddreg [dreg:$0x2];
	[bflag:$0x3] =	sbarrier.arrive $0xFFFF;
	s2 =	simm.s32 @!p0 $0x1C13  }
0x10e: {  	[timem:s3], [sflag:s2] =	dma.local @!p0 [hbm:s0], s1  }
0x10f: {  	s0 =	simm.s32 @!p0 $0x13  }
0x110: {  	_ =	swait.ge @!p0 [sflag:s0], s1  }
0x111: {  	s1 =	ssub.s32 @!p0 $0x0, s1;
	[sflag:s0] =	ssyncset.done @!p0 $0x0  }
0x112: {  	[sflag:s0] =	ssyncadd.s32 @!p0 s1  }
0x113: {  	[bflag:$0x3] =	sbarrier.arrive $0xFFFF  }
0x114: {  	_ =	shalt  }

</sc_bundles>
